<compile_context>
chip_gen: v7x
topology: tpu7x:2x2x1
jax: 0.10.2.dev20260603
libtpu: 0.0.44.dev20260713+nightly
codegen_flags: <defaults>
</compile_context>

<pallas_src>
import jax
import jax.numpy as jnp
from jax import lax
from jax.experimental import pallas as pl
from jax.experimental.pallas import tpu as pltpu
from jax.experimental.pallas import tpu_sc as plsc

_VOCAB = 100000
_HID = 64
_MAXLEN = 200
_BATCH = 4096
_EPS = 1e-8
_NC = 2
_NS = 16
_NW = _NC * _NS
_NTOK = _BATCH * _MAXLEN
_TOK_PER_W = _NTOK // _NW
_CHUNK = 256
_NCHUNK = _TOK_PER_W // _CHUNK



def _gather_body(tok_hbm, word_hbm, rows_hbm,
                 idx0, idx1, buf0, buf1, sem0, sem1, semo):
    wid = lax.axis_index("s") * _NC + lax.axis_index("c")
    base = wid * _TOK_PER_W

    def issue(off, idx_v, buf_v, sem):
        pltpu.sync_copy(tok_hbm.at[pl.ds(off, _CHUNK)], idx_v)
        for j in range(_CHUNK // 128):
            pltpu.async_copy(word_hbm.at[idx_v.at[pl.ds(128 * j, 128)]],
                             buf_v.at[pl.ds(128 * j, 128)], sem)

    lane = lax.iota(jnp.int32, 16)
    col64 = jnp.full((16,), _HID, jnp.int32)

    def drain(off, idx_v, buf_v, sem):
        for j in range(_CHUNK // 128):
            pltpu.make_async_copy(word_hbm.at[idx_v.at[pl.ds(128 * j, 128)]],
                                  buf_v.at[pl.ds(128 * j, 128)], sem).wait()
        for k in range(_CHUNK // 16):
            tk = idx_v[pl.ds(16 * k, 16)]
            m = jnp.where(tk != 0, jnp.float32(1.0), jnp.float32(0.0))
            plsc.store_scatter(buf_v, [16 * k + lane, col64], m)
        pltpu.async_copy(buf_v.at[:, pl.ds(0, 80)],
                         rows_hbm.at[pl.ds(off, _CHUNK), pl.ds(0, 80)],
                         semo).wait()

    issue(base, idx0, buf0, sem0)

    def chunk_body(i, c):
        slot = lax.rem(i, 2)

        @pl.when(jnp.logical_and(i + 1 < _NCHUNK, slot == 0))
        def _():
            issue(base + (i + 1) * _CHUNK, idx1, buf1, sem1)

        @pl.when(jnp.logical_and(i + 1 < _NCHUNK, slot == 1))
        def _():
            issue(base + (i + 1) * _CHUNK, idx0, buf0, sem0)

        off_i = base + i * _CHUNK

        @pl.when(slot == 0)
        def _():
            drain(off_i, idx0, buf0, sem0)

        @pl.when(slot == 1)
        def _():
            drain(off_i, idx1, buf1, sem1)

        return c

    lax.fori_loop(0, _NCHUNK, chunk_body, 0)


_gather = pl.kernel(
    _gather_body,
    mesh=plsc.VectorSubcoreMesh(core_axis_name="c", subcore_axis_name="s"),
    out_type=jax.ShapeDtypeStruct((_NTOK, 128), jnp.float32),
    scratch_types=[
        pltpu.VMEM((_CHUNK,), jnp.int32),
        pltpu.VMEM((_CHUNK,), jnp.int32),
        pltpu.VMEM((_CHUNK, 128), jnp.float32),
        pltpu.VMEM((_CHUNK, 128), jnp.float32),
        pltpu.SemaphoreType.DMA,
        pltpu.SemaphoreType.DMA,
        pltpu.SemaphoreType.DMA,
    ],
    compiler_params=pltpu.CompilerParams(use_tc_tiling_on_sc=False,
                                         needs_layout_passes=False),
)



_LN_SEQS = 64
_LN_BLK = _LN_SEQS * _MAXLEN


def _ln_body(x_ref, pos_ref, gamma_ref, beta_ref, o_ref):
    x128 = x_ref[...]
    x = x128[:, :_HID] + pos_ref[...]
    avg = jnp.full((_HID, _HID), 1.0 / _HID, jnp.float32)
    mean = jnp.dot(x, avg, preferred_element_type=jnp.float32)
    ex2 = jnp.dot(x * x, avg, preferred_element_type=jnp.float32)
    var = ex2 - mean * mean
    normed = (x - mean) * lax.rsqrt(var + _EPS)
    y = normed * gamma_ref[...][None, :] + beta_ref[...][None, :]
    mask = x128[:, _HID:_HID + 1]
    y = y * mask
    o_ref[...] = y.reshape(_LN_SEQS, _MAXLEN, _HID)


def _ln(rows, pos_rep, gamma, beta):
    grid = (_NTOK // _LN_BLK,)
    return pl.pallas_call(
        _ln_body,
        grid=grid,
        in_specs=[
            pl.BlockSpec((_LN_BLK, 128), lambda i: (i, 0)),
            pl.BlockSpec((_LN_BLK, _HID), lambda i: (0, 0)),
            pl.BlockSpec((_HID,), lambda i: (0,)),
            pl.BlockSpec((_HID,), lambda i: (0,)),
        ],
        out_specs=pl.BlockSpec((_LN_SEQS, _MAXLEN, _HID), lambda i: (i, 0, 0)),
        out_shape=jax.ShapeDtypeStruct((_BATCH, _MAXLEN, _HID), jnp.float32),
    )(rows, pos_rep, gamma, beta)


@jax.jit
def _run(tok_flat, word_table, pos_rep, gamma, beta):
    wordp = jnp.pad(word_table, ((0, 0), (0, 128 - _HID)))
    rows = _gather(tok_flat, wordp)
    return _ln(rows, pos_rep, gamma, beta)


def kernel(tokens, word_table, pos_table, gamma, beta):
    tok_flat = tokens.reshape(-1).astype(jnp.int32)
    pos_rep = jnp.tile(pos_table, (_LN_SEQS, 1))
    return _run(tok_flat, word_table, pos_rep, gamma, beta)

# --- scband reference (transcript-rebuilt; emitter-appended) ---
"""Pipeline reference for scband-word-and-positional-embedding-52261162057856 (READ-ONLY COPY).

The authoritative reference and input builder live on the scoring server;
editing this copy changes nothing except your own understanding.
"""

import jax, jax.numpy as jnp
import numpy as np

VOCAB = 100000
HID = 64
MAXLEN = 200
BATCH = 4096
PAD_IDX = 0
EPS = 1e-8


def setup_inputs(seed: int = 0) -> dict:
    key = jax.random.key(seed)
    k1, k2, k3 = jax.random.split(key, 3)
    tokens = jax.random.randint(k1, (BATCH, MAXLEN), 0, VOCAB)
    word_table = jax.random.normal(k2, (VOCAB, HID), dtype=jnp.float32) * 0.02
    pos_table = jax.random.normal(k3, (MAXLEN, HID), dtype=jnp.float32) * 0.02
    gamma = jnp.ones((HID,), dtype=jnp.float32)
    beta = jnp.zeros((HID,), dtype=jnp.float32)
    return {"tokens": tokens, "word_table": word_table, "pos_table": pos_table, "gamma": gamma, "beta": beta}


def reference(tokens, word_table, pos_table, gamma, beta):
    # position indices: [B, L]
    positions = jnp.broadcast_to(jnp.arange(MAXLEN, dtype=tokens.dtype)[None, :], tokens.shape)
    # embedding lookups (gather)
    word_embeddings = jnp.take(word_table, tokens, axis=0)          # [B, L, H]
    positional_embeddings = jnp.take(pos_table, positions, axis=0)  # [B, L, H]
    x = word_embeddings + positional_embeddings
    # layer norm over last axis, eps=1e-8 (Keras LayerNormalization defaults: center+scale)
    mean = jnp.mean(x, axis=-1, keepdims=True)
    var = jnp.mean(jnp.square(x - mean), axis=-1, keepdims=True)
    normed = (x - mean) / jnp.sqrt(var + EPS)
    embeddings = normed * gamma + beta
    # dropout rate = 0.0 -> identity
    token_mask = (tokens != PAD_IDX)[..., None]
    embeddings = embeddings * token_mask.astype(embeddings.dtype)
    return embeddings

if __name__ == "__main__":
    import jax
    _d = setup_inputs()
    print(jax.jit(kernel)(*tuple(_d.values())))

</pallas_src>

<mosaic_0001>
#map = affine_map<(d0, d1) -> (0)>
#map1 = affine_map<(d0, d1) -> (0, 0)>
module attributes {stable_mosaic.version = 14 : i64} {
  func.func @_gather_body(%arg0: i32, %arg1: i32, %arg2: memref<819200xi32, #tpu.memory_space<hbm>>, %arg3: memref<100000x128xf32, #tpu.memory_space<hbm>>, %arg4: memref<819200x128xf32, #tpu.memory_space<hbm>>, %arg5: memref<256xi32, #tpu.memory_space<vmem>>, %arg6: memref<256xi32, #tpu.memory_space<vmem>>, %arg7: memref<256x128xf32, #tpu.memory_space<vmem>>, %arg8: memref<256x128xf32, #tpu.memory_space<vmem>>, %arg9: memref<!tpu.dma_semaphore, #tpu.memory_space<semaphore_mem>>, %arg10: memref<!tpu.dma_semaphore, #tpu.memory_space<semaphore_mem>>, %arg11: memref<!tpu.dma_semaphore, #tpu.memory_space<semaphore_mem>>) attributes {dimension_semantics = [#tpu.dimension_semantics<core_parallel>, #tpu.dimension_semantics<subcore_parallel>], iteration_bounds = array<i64: 2, 16>, scalar_prefetch = 0 : i64, scratch_operands = 7 : i64, tpu.core_type = #tpu.core_type<sc_vector_subcore>, window_params = [{transform_indices = #map}, {transform_indices = #map1}, {transform_indices = #map1}]} {
    %mul3A = arith.constant 2 : i32
    %mul3A_0 = arith.muli %arg1, %mul3A : i32
    %add3A = arith.addi %mul3A_0, %arg0 : i32
    %mul3A_1 = arith.constant 25600 : i32
    %mul3A_2 = arith.muli %add3A, %mul3A_1 : i32
    %iota3A = tpu.iota {dimensions = array<i32: 0>} : vector<16xi32>
    %broadcast_in_dim3A = arith.constant 64 : i32
    %broadcast_in_dim3A_3 = vector.broadcast %broadcast_in_dim3A : i32 to vector<16xi32>
    "tpu.region"() ({
      %run_scoped3A = tpu.sem_alloc : memref<!tpu.dma_semaphore, #tpu.memory_space<semaphore_mem>>
      %dma_start3A_24 = tpu.memref_slice %arg2[%mul3A_2] : memref<819200xi32, #tpu.memory_space<hbm>> -> memref<256xi32, #tpu.memory_space<hbm>>
      %dma_start3A_25 = tpu.memref_slice %arg2[%mul3A_2] : memref<819200xi32, #tpu.memory_space<hbm>> -> memref<256xi32, #tpu.memory_space<hbm>>
      tpu.enqueue_dma source(%dma_start3A_25 : memref<256xi32, #tpu.memory_space<hbm>>) target(%arg5 : memref<256xi32, #tpu.memory_space<vmem>>) target_semaphore(%run_scoped3A : memref<!tpu.dma_semaphore, #tpu.memory_space<semaphore_mem>>)
      %dma_wait3A = tpu.memref_slice %arg2[%mul3A_2] : memref<819200xi32, #tpu.memory_space<hbm>> -> memref<256xi32, #tpu.memory_space<hbm>>
      %dma_wait3A_26 = tpu.memref_slice %arg2[%mul3A_2] : memref<819200xi32, #tpu.memory_space<hbm>> -> memref<256xi32, #tpu.memory_space<hbm>>
      tpu.wait_dma2 semaphore(%run_scoped3A : memref<!tpu.dma_semaphore, #tpu.memory_space<semaphore_mem>>) src(%dma_wait3A_26 : memref<256xi32, #tpu.memory_space<hbm>>) dst(%arg5 : memref<256xi32, #tpu.memory_space<vmem>>)
      tpu.yield
    }) : () -> ()
    %dma_start3A = arith.constant 0 : i32
    %dma_start3A_4 = arith.constant 0 : i32
    %dma_start3A_5 = tpu.memref_slice %arg7[%dma_start3A, %dma_start3A_4] : memref<256x128xf32, #tpu.memory_space<vmem>> -> memref<128x128xf32, #tpu.memory_space<vmem>>
    %dma_start3A_6 = arith.constant 0 : i32
    %dma_start3A_7 = tpu.memref_slice %arg5[%dma_start3A_6] : memref<256xi32, #tpu.memory_space<vmem>> -> memref<128xi32, #tpu.memory_space<vmem>>
    %dma_start3A_8 = arith.constant 0 : i32
    %dma_start3A_9 = arith.constant 0 : i32
    %dma_start3A_10 = tpu.memref_slice %arg3[%dma_start3A_8, %dma_start3A_9] : memref<100000x128xf32, #tpu.memory_space<hbm>> -> memref<100000x128xf32, #tpu.memory_space<hbm>>
    tpu.enqueue_indirect_dma source(%dma_start3A_10 : memref<100000x128xf32, #tpu.memory_space<hbm>>) target(%dma_start3A_5 : memref<128x128xf32, #tpu.memory_space<vmem>>) offsets(%dma_start3A_7 : memref<128xi32, #tpu.memory_space<vmem>>) semaphore(%arg9 : memref<!tpu.dma_semaphore, #tpu.memory_space<semaphore_mem>>)
    %dma_start3A_11 = arith.constant 128 : i32
    %dma_start3A_12 = arith.constant 0 : i32
    %dma_start3A_13 = tpu.memref_slice %arg7[%dma_start3A_11, %dma_start3A_12] : memref<256x128xf32, #tpu.memory_space<vmem>> -> memref<128x128xf32, #tpu.memory_space<vmem>>
    %dma_start3A_14 = arith.constant 128 : i32
    %dma_start3A_15 = tpu.memref_slice %arg5[%dma_start3A_14] : memref<256xi32, #tpu.memory_space<vmem>> -> memref<128xi32, #tpu.memory_space<vmem>>
    %dma_start3A_16 = arith.constant 0 : i32
    %dma_start3A_17 = arith.constant 0 : i32
    %dma_start3A_18 = tpu.memref_slice %arg3[%dma_start3A_16, %dma_start3A_17] : memref<100000x128xf32, #tpu.memory_space<hbm>> -> memref<100000x128xf32, #tpu.memory_space<hbm>>
    tpu.enqueue_indirect_dma source(%dma_start3A_18 : memref<100000x128xf32, #tpu.memory_space<hbm>>) target(%dma_start3A_13 : memref<128x128xf32, #tpu.memory_space<vmem>>) offsets(%dma_start3A_15 : memref<128xi32, #tpu.memory_space<vmem>>) semaphore(%arg9 : memref<!tpu.dma_semaphore, #tpu.memory_space<semaphore_mem>>)
    %scan3A = arith.constant 0 : i32
    %scan3A_19 = arith.constant 0 : i32
    %scan3A_20 = arith.constant 100 : i32
    %scan3A_21 = arith.addi %scan3A_19, %scan3A_20 : i32
    %scan3A_22 = arith.constant 1 : i32
    scf.for %scan3A_24 = %scan3A_19 to %scan3A_21 step %scan3A_22  : i32 {
      %rem3A = arith.constant 2 : i32
      %rem3A_25 = arith.remsi %scan3A_24, %rem3A : i32
      %add3A_26 = arith.constant 1 : i32
      %add3A_27 = arith.addi %scan3A_24, %add3A_26 : i32
      %lt3A = arith.constant 100 : i32
      %lt3A_28 = arith.cmpi slt, %add3A_27, %lt3A : i32
      %eq3A = arith.constant 0 : i32
      %eq3A_29 = arith.cmpi eq, %rem3A_25, %eq3A : i32
      %and3A = arith.andi %lt3A_28, %eq3A_29 : i1
      %convert_element_type3A = arith.extui %and3A : i1 to i32
      %cond3A = arith.constant 0 : i32
      %cond3A_30 = arith.cmpi ne, %convert_element_type3A, %cond3A : i32
      scf.if %cond3A_30 {
        %add3A_54 = arith.constant 1 : i32
        %add3A_55 = arith.addi %scan3A_24, %add3A_54 : i32
        %mul3A_56 = arith.constant 256 : i32
        %mul3A_57 = arith.muli %add3A_55, %mul3A_56 : i32
        %add3A_58 = arith.addi %mul3A_2, %mul3A_57 : i32
        "tpu.region"() ({
          %run_scoped3A = tpu.sem_alloc : memref<!tpu.dma_semaphore, #tpu.memory_space<semaphore_mem>>
          %dma_start3A_75 = tpu.memref_slice %arg2[%add3A_58] : memref<819200xi32, #tpu.memory_space<hbm>> -> memref<256xi32, #tpu.memory_space<hbm>>
          %dma_start3A_76 = tpu.memref_slice %arg2[%add3A_58] : memref<819200xi32, #tpu.memory_space<hbm>> -> memref<256xi32, #tpu.memory_space<hbm>>
          tpu.enqueue_dma source(%dma_start3A_76 : memref<256xi32, #tpu.memory_space<hbm>>) target(%arg6 : memref<256xi32, #tpu.memory_space<vmem>>) target_semaphore(%run_scoped3A : memref<!tpu.dma_semaphore, #tpu.memory_space<semaphore_mem>>)
          %dma_wait3A = tpu.memref_slice %arg2[%add3A_58] : memref<819200xi32, #tpu.memory_space<hbm>> -> memref<256xi32, #tpu.memory_space<hbm>>
          %dma_wait3A_77 = tpu.memref_slice %arg2[%add3A_58] : memref<819200xi32, #tpu.memory_space<hbm>> -> memref<256xi32, #tpu.memory_space<hbm>>
          tpu.wait_dma2 semaphore(%run_scoped3A : memref<!tpu.dma_semaphore, #tpu.memory_space<semaphore_mem>>) src(%dma_wait3A_77 : memref<256xi32, #tpu.memory_space<hbm>>) dst(%arg6 : memref<256xi32, #tpu.memory_space<vmem>>)
          tpu.yield
        }) : () -> ()
        %dma_start3A_59 = arith.constant 0 : i32
        %dma_start3A_60 = arith.constant 0 : i32
        %dma_start3A_61 = tpu.memref_slice %arg8[%dma_start3A_59, %dma_start3A_60] : memref<256x128xf32, #tpu.memory_space<vmem>> -> memref<128x128xf32, #tpu.memory_space<vmem>>
        %dma_start3A_62 = arith.constant 0 : i32
        %dma_start3A_63 = tpu.memref_slice %arg6[%dma_start3A_62] : memref<256xi32, #tpu.memory_space<vmem>> -> memref<128xi32, #tpu.memory_space<vmem>>
        %dma_start3A_64 = arith.constant 0 : i32
        %dma_start3A_65 = arith.constant 0 : i32
        %dma_start3A_66 = tpu.memref_slice %arg3[%dma_start3A_64, %dma_start3A_65] : memref<100000x128xf32, #tpu.memory_space<hbm>> -> memref<100000x128xf32, #tpu.memory_space<hbm>>
        tpu.enqueue_indirect_dma source(%dma_start3A_66 : memref<100000x128xf32, #tpu.memory_space<hbm>>) target(%dma_start3A_61 : memref<128x128xf32, #tpu.memory_space<vmem>>) offsets(%dma_start3A_63 : memref<128xi32, #tpu.memory_space<vmem>>) semaphore(%arg10 : memref<!tpu.dma_semaphore, #tpu.memory_space<semaphore_mem>>)
        %dma_start3A_67 = arith.constant 128 : i32
        %dma_start3A_68 = arith.constant 0 : i32
        %dma_start3A_69 = tpu.memref_slice %arg8[%dma_start3A_67, %dma_start3A_68] : memref<256x128xf32, #tpu.memory_space<vmem>> -> memref<128x128xf32, #tpu.memory_space<vmem>>
        %dma_start3A_70 = arith.constant 128 : i32
        %dma_start3A_71 = tpu.memref_slice %arg6[%dma_start3A_70] : memref<256xi32, #tpu.memory_space<vmem>> -> memref<128xi32, #tpu.memory_space<vmem>>
        %dma_start3A_72 = arith.constant 0 : i32
        %dma_start3A_73 = arith.constant 0 : i32
        %dma_start3A_74 = tpu.memref_slice %arg3[%dma_start3A_72, %dma_start3A_73] : memref<100000x128xf32, #tpu.memory_space<hbm>> -> memref<100000x128xf32, #tpu.memory_space<hbm>>
        tpu.enqueue_indirect_dma source(%dma_start3A_74 : memref<100000x128xf32, #tpu.memory_space<hbm>>) target(%dma_start3A_69 : memref<128x128xf32, #tpu.memory_space<vmem>>) offsets(%dma_start3A_71 : memref<128xi32, #tpu.memory_space<vmem>>) semaphore(%arg10 : memref<!tpu.dma_semaphore, #tpu.memory_space<semaphore_mem>>)
      } else {
      }
      %add3A_31 = arith.constant 1 : i32
      %add3A_32 = arith.addi %scan3A_24, %add3A_31 : i32
      %lt3A_33 = arith.constant 100 : i32
      %lt3A_34 = arith.cmpi slt, %add3A_32, %lt3A_33 : i32
      %eq3A_35 = arith.constant 1 : i32
      %eq3A_36 = arith.cmpi eq, %rem3A_25, %eq3A_35 : i32
      %and3A_37 = arith.andi %lt3A_34, %eq3A_36 : i1
      %convert_element_type3A_38 = arith.extui %and3A_37 : i1 to i32
      %cond3A_39 = arith.constant 0 : i32
      %cond3A_40 = arith.cmpi ne, %convert_element_type3A_38, %cond3A_39 : i32
      scf.if %cond3A_40 {
        %add3A_54 = arith.constant 1 : i32
        %add3A_55 = arith.addi %scan3A_24, %add3A_54 : i32
        %mul3A_56 = arith.constant 256 : i32
        %mul3A_57 = arith.muli %add3A_55, %mul3A_56 : i32
        %add3A_58 = arith.addi %mul3A_2, %mul3A_57 : i32
        "tpu.region"() ({
          %run_scoped3A = tpu.sem_alloc : memref<!tpu.dma_semaphore, #tpu.memory_space<semaphore_mem>>
          %dma_start3A_75 = tpu.memref_slice %arg2[%add3A_58] : memref<819200xi32, #tpu.memory_space<hbm>> -> memref<256xi32, #tpu.memory_space<hbm>>
          %dma_start3A_76 = tpu.memref_slice %arg2[%add3A_58] : memref<819200xi32, #tpu.memory_space<hbm>> -> memref<256xi32, #tpu.memory_space<hbm>>
          tpu.enqueue_dma source(%dma_start3A_76 : memref<256xi32, #tpu.memory_space<hbm>>) target(%arg5 : memref<256xi32, #tpu.memory_space<vmem>>) target_semaphore(%run_scoped3A : memref<!tpu.dma_semaphore, #tpu.memory_space<semaphore_mem>>)
          %dma_wait3A = tpu.memref_slice %arg2[%add3A_58] : memref<819200xi32, #tpu.memory_space<hbm>> -> memref<256xi32, #tpu.memory_space<hbm>>
          %dma_wait3A_77 = tpu.memref_slice %arg2[%add3A_58] : memref<819200xi32, #tpu.memory_space<hbm>> -> memref<256xi32, #tpu.memory_space<hbm>>
          tpu.wait_dma2 semaphore(%run_scoped3A : memref<!tpu.dma_semaphore, #tpu.memory_space<semaphore_mem>>) src(%dma_wait3A_77 : memref<256xi32, #tpu.memory_space<hbm>>) dst(%arg5 : memref<256xi32, #tpu.memory_space<vmem>>)
          tpu.yield
        }) : () -> ()
        %dma_start3A_59 = arith.constant 0 : i32
        %dma_start3A_60 = arith.constant 0 : i32
        %dma_start3A_61 = tpu.memref_slice %arg7[%dma_start3A_59, %dma_start3A_60] : memref<256x128xf32, #tpu.memory_space<vmem>> -> memref<128x128xf32, #tpu.memory_space<vmem>>
        %dma_start3A_62 = arith.constant 0 : i32
        %dma_start3A_63 = tpu.memref_slice %arg5[%dma_start3A_62] : memref<256xi32, #tpu.memory_space<vmem>> -> memref<128xi32, #tpu.memory_space<vmem>>
        %dma_start3A_64 = arith.constant 0 : i32
        %dma_start3A_65 = arith.constant 0 : i32
        %dma_start3A_66 = tpu.memref_slice %arg3[%dma_start3A_64, %dma_start3A_65] : memref<100000x128xf32, #tpu.memory_space<hbm>> -> memref<100000x128xf32, #tpu.memory_space<hbm>>
        tpu.enqueue_indirect_dma source(%dma_start3A_66 : memref<100000x128xf32, #tpu.memory_space<hbm>>) target(%dma_start3A_61 : memref<128x128xf32, #tpu.memory_space<vmem>>) offsets(%dma_start3A_63 : memref<128xi32, #tpu.memory_space<vmem>>) semaphore(%arg9 : memref<!tpu.dma_semaphore, #tpu.memory_space<semaphore_mem>>)
        %dma_start3A_67 = arith.constant 128 : i32
        %dma_start3A_68 = arith.constant 0 : i32
        %dma_start3A_69 = tpu.memref_slice %arg7[%dma_start3A_67, %dma_start3A_68] : memref<256x128xf32, #tpu.memory_space<vmem>> -> memref<128x128xf32, #tpu.memory_space<vmem>>
        %dma_start3A_70 = arith.constant 128 : i32
        %dma_start3A_71 = tpu.memref_slice %arg5[%dma_start3A_70] : memref<256xi32, #tpu.memory_space<vmem>> -> memref<128xi32, #tpu.memory_space<vmem>>
        %dma_start3A_72 = arith.constant 0 : i32
        %dma_start3A_73 = arith.constant 0 : i32
        %dma_start3A_74 = tpu.memref_slice %arg3[%dma_start3A_72, %dma_start3A_73] : memref<100000x128xf32, #tpu.memory_space<hbm>> -> memref<100000x128xf32, #tpu.memory_space<hbm>>
        tpu.enqueue_indirect_dma source(%dma_start3A_74 : memref<100000x128xf32, #tpu.memory_space<hbm>>) target(%dma_start3A_69 : memref<128x128xf32, #tpu.memory_space<vmem>>) offsets(%dma_start3A_71 : memref<128xi32, #tpu.memory_space<vmem>>) semaphore(%arg9 : memref<!tpu.dma_semaphore, #tpu.memory_space<semaphore_mem>>)
      } else {
      }
      %mul3A_41 = arith.constant 256 : i32
      %mul3A_42 = arith.muli %scan3A_24, %mul3A_41 : i32
      %add3A_43 = arith.addi %mul3A_2, %mul3A_42 : i32
      %eq3A_44 = arith.constant 0 : i32
      %eq3A_45 = arith.cmpi eq, %rem3A_25, %eq3A_44 : i32
      %convert_element_type3A_46 = arith.extui %eq3A_45 : i1 to i32
      %cond3A_47 = arith.constant 0 : i32
      %cond3A_48 = arith.cmpi ne, %convert_element_type3A_46, %cond3A_47 : i32
      scf.if %cond3A_48 {
        %dma_wait3A = arith.constant 0 : i32
        %dma_wait3A_54 = arith.constant 0 : i32
        %dma_wait3A_55 = tpu.memref_slice %arg7[%dma_wait3A, %dma_wait3A_54] : memref<256x128xf32, #tpu.memory_space<vmem>> -> memref<128x128xf32, #tpu.memory_space<vmem>>
        %dma_wait3A_56 = arith.constant 0 : i32
        %dma_wait3A_57 = tpu.memref_slice %arg5[%dma_wait3A_56] : memref<256xi32, #tpu.memory_space<vmem>> -> memref<128xi32, #tpu.memory_space<vmem>>
        %dma_wait3A_58 = arith.constant 0 : i32
        %dma_wait3A_59 = arith.constant 0 : i32
        %dma_wait3A_60 = tpu.memref_slice %arg3[%dma_wait3A_58, %dma_wait3A_59] : memref<100000x128xf32, #tpu.memory_space<hbm>> -> memref<100000x128xf32, #tpu.memory_space<hbm>>
        tpu.wait_indirect_dma semaphore(%arg9 : memref<!tpu.dma_semaphore, #tpu.memory_space<semaphore_mem>>) src(%dma_wait3A_60 : memref<100000x128xf32, #tpu.memory_space<hbm>>) dst(%dma_wait3A_55 : memref<128x128xf32, #tpu.memory_space<vmem>>)
        %dma_wait3A_61 = arith.constant 128 : i32
        %dma_wait3A_62 = arith.constant 0 : i32
        %dma_wait3A_63 = tpu.memref_slice %arg7[%dma_wait3A_61, %dma_wait3A_62] : memref<256x128xf32, #tpu.memory_space<vmem>> -> memref<128x128xf32, #tpu.memory_space<vmem>>
        %dma_wait3A_64 = arith.constant 128 : i32
        %dma_wait3A_65 = tpu.memref_slice %arg5[%dma_wait3A_64] : memref<256xi32, #tpu.memory_space<vmem>> -> memref<128xi32, #tpu.memory_space<vmem>>
        %dma_wait3A_66 = arith.constant 0 : i32
        %dma_wait3A_67 = arith.constant 0 : i32
        %dma_wait3A_68 = tpu.memref_slice %arg3[%dma_wait3A_66, %dma_wait3A_67] : memref<100000x128xf32, #tpu.memory_space<hbm>> -> memref<100000x128xf32, #tpu.memory_space<hbm>>
        tpu.wait_indirect_dma semaphore(%arg9 : memref<!tpu.dma_semaphore, #tpu.memory_space<semaphore_mem>>) src(%dma_wait3A_68 : memref<100000x128xf32, #tpu.memory_space<hbm>>) dst(%dma_wait3A_63 : memref<128x128xf32, #tpu.memory_space<vmem>>)
        %get3A = arith.constant 0 : index
        %get3A_69 = tpu.vector_load %arg5[%get3A] {strides = array<i32>} : memref<256xi32, #tpu.memory_space<vmem>>, vector<16xi32>,
        %ne3A = arith.constant 0 : i32
        %ne3A_70 = vector.broadcast %ne3A : i32 to vector<16xi32>
        %ne3A_71 = arith.cmpi ne, %get3A_69, %ne3A_70 : vector<16xi32>
        %jit3A = arith.constant 1.000000e+00 : f32
        %jit3A_72 = arith.constant 0.000000e+00 : f32
        %broadcast_in_dim3A_73 = vector.broadcast %jit3A : f32 to vector<16xf32>
        %broadcast_in_dim3A_74 = vector.broadcast %jit3A_72 : f32 to vector<16xf32>
        %select_n3A = arith.select %ne3A_71, %broadcast_in_dim3A_73, %broadcast_in_dim3A_74 : vector<16xi1>, vector<16xf32>
        %add3A_75 = arith.constant 0 : i32
        %add3A_76 = vector.broadcast %add3A_75 : i32 to vector<16xi32>
        %add3A_77 = arith.addi %add3A_76, %iota3A : vector<16xi32>
        tpu.vector_store_idx %arg7[%add3A_77, %broadcast_in_dim3A_3], %select_n3A : memref<256x128xf32, #tpu.memory_space<vmem>>[vector<16xi32>, vector<16xi32>], vector<16xf32>,
        %get3A_78 = arith.constant 16 : index
        %get3A_79 = tpu.vector_load %arg5[%get3A_78] {strides = array<i32>} : memref<256xi32, #tpu.memory_space<vmem>>, vector<16xi32>,
        %ne3A_80 = arith.constant 0 : i32
        %ne3A_81 = vector.broadcast %ne3A_80 : i32 to vector<16xi32>
        %ne3A_82 = arith.cmpi ne, %get3A_79, %ne3A_81 : vector<16xi32>
        %jit3A_83 = arith.constant 1.000000e+00 : f32
        %jit3A_84 = arith.constant 0.000000e+00 : f32
        %broadcast_in_dim3A_85 = vector.broadcast %jit3A_83 : f32 to vector<16xf32>
        %broadcast_in_dim3A_86 = vector.broadcast %jit3A_84 : f32 to vector<16xf32>
        %select_n3A_87 = arith.select %ne3A_82, %broadcast_in_dim3A_85, %broadcast_in_dim3A_86 : vector<16xi1>, vector<16xf32>
        %add3A_88 = arith.constant 16 : i32
        %add3A_89 = vector.broadcast %add3A_88 : i32 to vector<16xi32>
        %add3A_90 = arith.addi %add3A_89, %iota3A : vector<16xi32>
        tpu.vector_store_idx %arg7[%add3A_90, %broadcast_in_dim3A_3], %select_n3A_87 : memref<256x128xf32, #tpu.memory_space<vmem>>[vector<16xi32>, vector<16xi32>], vector<16xf32>,
        %get3A_91 = arith.constant 32 : index
        %get3A_92 = tpu.vector_load %arg5[%get3A_91] {strides = array<i32>} : memref<256xi32, #tpu.memory_space<vmem>>, vector<16xi32>,
        %ne3A_93 = arith.constant 0 : i32
        %ne3A_94 = vector.broadcast %ne3A_93 : i32 to vector<16xi32>
        %ne3A_95 = arith.cmpi ne, %get3A_92, %ne3A_94 : vector<16xi32>
        %jit3A_96 = arith.constant 1.000000e+00 : f32
        %jit3A_97 = arith.constant 0.000000e+00 : f32
        %broadcast_in_dim3A_98 = vector.broadcast %jit3A_96 : f32 to vector<16xf32>
        %broadcast_in_dim3A_99 = vector.broadcast %jit3A_97 : f32 to vector<16xf32>
        %select_n3A_100 = arith.select %ne3A_95, %broadcast_in_dim3A_98, %broadcast_in_dim3A_99 : vector<16xi1>, vector<16xf32>
        %add3A_101 = arith.constant 32 : i32
        %add3A_102 = vector.broadcast %add3A_101 : i32 to vector<16xi32>
        %add3A_103 = arith.addi %add3A_102, %iota3A : vector<16xi32>
        tpu.vector_store_idx %arg7[%add3A_103, %broadcast_in_dim3A_3], %select_n3A_100 : memref<256x128xf32, #tpu.memory_space<vmem>>[vector<16xi32>, vector<16xi32>], vector<16xf32>,
        %get3A_104 = arith.constant 48 : index
        %get3A_105 = tpu.vector_load %arg5[%get3A_104] {strides = array<i32>} : memref<256xi32, #tpu.memory_space<vmem>>, vector<16xi32>,
        %ne3A_106 = arith.constant 0 : i32
        %ne3A_107 = vector.broadcast %ne3A_106 : i32 to vector<16xi32>
        %ne3A_108 = arith.cmpi ne, %get3A_105, %ne3A_107 : vector<16xi32>
        %jit3A_109 = arith.constant 1.000000e+00 : f32
        %jit3A_110 = arith.constant 0.000000e+00 : f32
        %broadcast_in_dim3A_111 = vector.broadcast %jit3A_109 : f32 to vector<16xf32>
        %broadcast_in_dim3A_112 = vector.broadcast %jit3A_110 : f32 to vector<16xf32>
        %select_n3A_113 = arith.select %ne3A_108, %broadcast_in_dim3A_111, %broadcast_in_dim3A_112 : vector<16xi1>, vector<16xf32>
        %add3A_114 = arith.constant 48 : i32
        %add3A_115 = vector.broadcast %add3A_114 : i32 to vector<16xi32>
        %add3A_116 = arith.addi %add3A_115, %iota3A : vector<16xi32>
        tpu.vector_store_idx %arg7[%add3A_116, %broadcast_in_dim3A_3], %select_n3A_113 : memref<256x128xf32, #tpu.memory_space<vmem>>[vector<16xi32>, vector<16xi32>], vector<16xf32>,
        %get3A_117 = arith.constant 64 : index
        %get3A_118 = tpu.vector_load %arg5[%get3A_117] {strides = array<i32>} : memref<256xi32, #tpu.memory_space<vmem>>, vector<16xi32>,
        %ne3A_119 = arith.constant 0 : i32
        %ne3A_120 = vector.broadcast %ne3A_119 : i32 to vector<16xi32>
        %ne3A_121 = arith.cmpi ne, %get3A_118, %ne3A_120 : vector<16xi32>
        %jit3A_122 = arith.constant 1.000000e+00 : f32
        %jit3A_123 = arith.constant 0.000000e+00 : f32
        %broadcast_in_dim3A_124 = vector.broadcast %jit3A_122 : f32 to vector<16xf32>
        %broadcast_in_dim3A_125 = vector.broadcast %jit3A_123 : f32 to vector<16xf32>
        %select_n3A_126 = arith.select %ne3A_121, %broadcast_in_dim3A_124, %broadcast_in_dim3A_125 : vector<16xi1>, vector<16xf32>
        %add3A_127 = arith.constant 64 : i32
        %add3A_128 = vector.broadcast %add3A_127 : i32 to vector<16xi32>
        %add3A_129 = arith.addi %add3A_128, %iota3A : vector<16xi32>
        tpu.vector_store_idx %arg7[%add3A_129, %broadcast_in_dim3A_3], %select_n3A_126 : memref<256x128xf32, #tpu.memory_space<vmem>>[vector<16xi32>, vector<16xi32>], vector<16xf32>,
        %get3A_130 = arith.constant 80 : index
        %get3A_131 = tpu.vector_load %arg5[%get3A_130] {strides = array<i32>} : memref<256xi32, #tpu.memory_space<vmem>>, vector<16xi32>,
        %ne3A_132 = arith.constant 0 : i32
        %ne3A_133 = vector.broadcast %ne3A_132 : i32 to vector<16xi32>
        %ne3A_134 = arith.cmpi ne, %get3A_131, %ne3A_133 : vector<16xi32>
        %jit3A_135 = arith.constant 1.000000e+00 : f32
        %jit3A_136 = arith.constant 0.000000e+00 : f32
        %broadcast_in_dim3A_137 = vector.broadcast %jit3A_135 : f32 to vector<16xf32>
        %broadcast_in_dim3A_138 = vector.broadcast %jit3A_136 : f32 to vector<16xf32>
        %select_n3A_139 = arith.select %ne3A_134, %broadcast_in_dim3A_137, %broadcast_in_dim3A_138 : vector<16xi1>, vector<16xf32>
        %add3A_140 = arith.constant 80 : i32
        %add3A_141 = vector.broadcast %add3A_140 : i32 to vector<16xi32>
        %add3A_142 = arith.addi %add3A_141, %iota3A : vector<16xi32>
        tpu.vector_store_idx %arg7[%add3A_142, %broadcast_in_dim3A_3], %select_n3A_139 : memref<256x128xf32, #tpu.memory_space<vmem>>[vector<16xi32>, vector<16xi32>], vector<16xf32>,
        %get3A_143 = arith.constant 96 : index
        %get3A_144 = tpu.vector_load %arg5[%get3A_143] {strides = array<i32>} : memref<256xi32, #tpu.memory_space<vmem>>, vector<16xi32>,
        %ne3A_145 = arith.constant 0 : i32
        %ne3A_146 = vector.broadcast %ne3A_145 : i32 to vector<16xi32>
        %ne3A_147 = arith.cmpi ne, %get3A_144, %ne3A_146 : vector<16xi32>
        %jit3A_148 = arith.constant 1.000000e+00 : f32
        %jit3A_149 = arith.constant 0.000000e+00 : f32
        %broadcast_in_dim3A_150 = vector.broadcast %jit3A_148 : f32 to vector<16xf32>
        %broadcast_in_dim3A_151 = vector.broadcast %jit3A_149 : f32 to vector<16xf32>
        %select_n3A_152 = arith.select %ne3A_147, %broadcast_in_dim3A_150, %broadcast_in_dim3A_151 : vector<16xi1>, vector<16xf32>
        %add3A_153 = arith.constant 96 : i32
        %add3A_154 = vector.broadcast %add3A_153 : i32 to vector<16xi32>
        %add3A_155 = arith.addi %add3A_154, %iota3A : vector<16xi32>
        tpu.vector_store_idx %arg7[%add3A_155, %broadcast_in_dim3A_3], %select_n3A_152 : memref<256x128xf32, #tpu.memory_space<vmem>>[vector<16xi32>, vector<16xi32>], vector<16xf32>,
        %get3A_156 = arith.constant 112 : index
        %get3A_157 = tpu.vector_load %arg5[%get3A_156] {strides = array<i32>} : memref<256xi32, #tpu.memory_space<vmem>>, vector<16xi32>,
        %ne3A_158 = arith.constant 0 : i32
        %ne3A_159 = vector.broadcast %ne3A_158 : i32 to vector<16xi32>
        %ne3A_160 = arith.cmpi ne, %get3A_157, %ne3A_159 : vector<16xi32>
        %jit3A_161 = arith.constant 1.000000e+00 : f32
        %jit3A_162 = arith.constant 0.000000e+00 : f32
        %broadcast_in_dim3A_163 = vector.broadcast %jit3A_161 : f32 to vector<16xf32>
        %broadcast_in_dim3A_164 = vector.broadcast %jit3A_162 : f32 to vector<16xf32>
        %select_n3A_165 = arith.select %ne3A_160, %broadcast_in_dim3A_163, %broadcast_in_dim3A_164 : vector<16xi1>, vector<16xf32>
        %add3A_166 = arith.constant 112 : i32
        %add3A_167 = vector.broadcast %add3A_166 : i32 to vector<16xi32>
        %add3A_168 = arith.addi %add3A_167, %iota3A : vector<16xi32>
        tpu.vector_store_idx %arg7[%add3A_168, %broadcast_in_dim3A_3], %select_n3A_165 : memref<256x128xf32, #tpu.memory_space<vmem>>[vector<16xi32>, vector<16xi32>], vector<16xf32>,
        %get3A_169 = arith.constant 128 : index
        %get3A_170 = tpu.vector_load %arg5[%get3A_169] {strides = array<i32>} : memref<256xi32, #tpu.memory_space<vmem>>, vector<16xi32>,
        %ne3A_171 = arith.constant 0 : i32
        %ne3A_172 = vector.broadcast %ne3A_171 : i32 to vector<16xi32>
        %ne3A_173 = arith.cmpi ne, %get3A_170, %ne3A_172 : vector<16xi32>
        %jit3A_174 = arith.constant 1.000000e+00 : f32
        %jit3A_175 = arith.constant 0.000000e+00 : f32
        %broadcast_in_dim3A_176 = vector.broadcast %jit3A_174 : f32 to vector<16xf32>
        %broadcast_in_dim3A_177 = vector.broadcast %jit3A_175 : f32 to vector<16xf32>
        %select_n3A_178 = arith.select %ne3A_173, %broadcast_in_dim3A_176, %broadcast_in_dim3A_177 : vector<16xi1>, vector<16xf32>
        %add3A_179 = arith.constant 128 : i32
        %add3A_180 = vector.broadcast %add3A_179 : i32 to vector<16xi32>
        %add3A_181 = arith.addi %add3A_180, %iota3A : vector<16xi32>
        tpu.vector_store_idx %arg7[%add3A_181, %broadcast_in_dim3A_3], %select_n3A_178 : memref<256x128xf32, #tpu.memory_space<vmem>>[vector<16xi32>, vector<16xi32>], vector<16xf32>,
        %get3A_182 = arith.constant 144 : index
        %get3A_183 = tpu.vector_load %arg5[%get3A_182] {strides = array<i32>} : memref<256xi32, #tpu.memory_space<vmem>>, vector<16xi32>,
        %ne3A_184 = arith.constant 0 : i32
        %ne3A_185 = vector.broadcast %ne3A_184 : i32 to vector<16xi32>
        %ne3A_186 = arith.cmpi ne, %get3A_183, %ne3A_185 : vector<16xi32>
        %jit3A_187 = arith.constant 1.000000e+00 : f32
        %jit3A_188 = arith.constant 0.000000e+00 : f32
        %broadcast_in_dim3A_189 = vector.broadcast %jit3A_187 : f32 to vector<16xf32>
        %broadcast_in_dim3A_190 = vector.broadcast %jit3A_188 : f32 to vector<16xf32>
        %select_n3A_191 = arith.select %ne3A_186, %broadcast_in_dim3A_189, %broadcast_in_dim3A_190 : vector<16xi1>, vector<16xf32>
        %add3A_192 = arith.constant 144 : i32
        %add3A_193 = vector.broadcast %add3A_192 : i32 to vector<16xi32>
        %add3A_194 = arith.addi %add3A_193, %iota3A : vector<16xi32>
        tpu.vector_store_idx %arg7[%add3A_194, %broadcast_in_dim3A_3], %select_n3A_191 : memref<256x128xf32, #tpu.memory_space<vmem>>[vector<16xi32>, vector<16xi32>], vector<16xf32>,
        %get3A_195 = arith.constant 160 : index
        %get3A_196 = tpu.vector_load %arg5[%get3A_195] {strides = array<i32>} : memref<256xi32, #tpu.memory_space<vmem>>, vector<16xi32>,
        %ne3A_197 = arith.constant 0 : i32
        %ne3A_198 = vector.broadcast %ne3A_197 : i32 to vector<16xi32>
        %ne3A_199 = arith.cmpi ne, %get3A_196, %ne3A_198 : vector<16xi32>
        %jit3A_200 = arith.constant 1.000000e+00 : f32
        %jit3A_201 = arith.constant 0.000000e+00 : f32
        %broadcast_in_dim3A_202 = vector.broadcast %jit3A_200 : f32 to vector<16xf32>
        %broadcast_in_dim3A_203 = vector.broadcast %jit3A_201 : f32 to vector<16xf32>
        %select_n3A_204 = arith.select %ne3A_199, %broadcast_in_dim3A_202, %broadcast_in_dim3A_203 : vector<16xi1>, vector<16xf32>
        %add3A_205 = arith.constant 160 : i32
        %add3A_206 = vector.broadcast %add3A_205 : i32 to vector<16xi32>
        %add3A_207 = arith.addi %add3A_206, %iota3A : vector<16xi32>
        tpu.vector_store_idx %arg7[%add3A_207, %broadcast_in_dim3A_3], %select_n3A_204 : memref<256x128xf32, #tpu.memory_space<vmem>>[vector<16xi32>, vector<16xi32>], vector<16xf32>,
        %get3A_208 = arith.constant 176 : index
        %get3A_209 = tpu.vector_load %arg5[%get3A_208] {strides = array<i32>} : memref<256xi32, #tpu.memory_space<vmem>>, vector<16xi32>,
        %ne3A_210 = arith.constant 0 : i32
        %ne3A_211 = vector.broadcast %ne3A_210 : i32 to vector<16xi32>
        %ne3A_212 = arith.cmpi ne, %get3A_209, %ne3A_211 : vector<16xi32>
        %jit3A_213 = arith.constant 1.000000e+00 : f32
        %jit3A_214 = arith.constant 0.000000e+00 : f32
        %broadcast_in_dim3A_215 = vector.broadcast %jit3A_213 : f32 to vector<16xf32>
        %broadcast_in_dim3A_216 = vector.broadcast %jit3A_214 : f32 to vector<16xf32>
        %select_n3A_217 = arith.select %ne3A_212, %broadcast_in_dim3A_215, %broadcast_in_dim3A_216 : vector<16xi1>, vector<16xf32>
        %add3A_218 = arith.constant 176 : i32
        %add3A_219 = vector.broadcast %add3A_218 : i32 to vector<16xi32>
        %add3A_220 = arith.addi %add3A_219, %iota3A : vector<16xi32>
        tpu.vector_store_idx %arg7[%add3A_220, %broadcast_in_dim3A_3], %select_n3A_217 : memref<256x128xf32, #tpu.memory_space<vmem>>[vector<16xi32>, vector<16xi32>], vector<16xf32>,
        %get3A_221 = arith.constant 192 : index
        %get3A_222 = tpu.vector_load %arg5[%get3A_221] {strides = array<i32>} : memref<256xi32, #tpu.memory_space<vmem>>, vector<16xi32>,
        %ne3A_223 = arith.constant 0 : i32
        %ne3A_224 = vector.broadcast %ne3A_223 : i32 to vector<16xi32>
        %ne3A_225 = arith.cmpi ne, %get3A_222, %ne3A_224 : vector<16xi32>
        %jit3A_226 = arith.constant 1.000000e+00 : f32
        %jit3A_227 = arith.constant 0.000000e+00 : f32
        %broadcast_in_dim3A_228 = vector.broadcast %jit3A_226 : f32 to vector<16xf32>
        %broadcast_in_dim3A_229 = vector.broadcast %jit3A_227 : f32 to vector<16xf32>
        %select_n3A_230 = arith.select %ne3A_225, %broadcast_in_dim3A_228, %broadcast_in_dim3A_229 : vector<16xi1>, vector<16xf32>
        %add3A_231 = arith.constant 192 : i32
        %add3A_232 = vector.broadcast %add3A_231 : i32 to vector<16xi32>
        %add3A_233 = arith.addi %add3A_232, %iota3A : vector<16xi32>
        tpu.vector_store_idx %arg7[%add3A_233, %broadcast_in_dim3A_3], %select_n3A_230 : memref<256x128xf32, #tpu.memory_space<vmem>>[vector<16xi32>, vector<16xi32>], vector<16xf32>,
        %get3A_234 = arith.constant 208 : index
        %get3A_235 = tpu.vector_load %arg5[%get3A_234] {strides = array<i32>} : memref<256xi32, #tpu.memory_space<vmem>>, vector<16xi32>,
        %ne3A_236 = arith.constant 0 : i32
        %ne3A_237 = vector.broadcast %ne3A_236 : i32 to vector<16xi32>
        %ne3A_238 = arith.cmpi ne, %get3A_235, %ne3A_237 : vector<16xi32>
        %jit3A_239 = arith.constant 1.000000e+00 : f32
        %jit3A_240 = arith.constant 0.000000e+00 : f32
        %broadcast_in_dim3A_241 = vector.broadcast %jit3A_239 : f32 to vector<16xf32>
        %broadcast_in_dim3A_242 = vector.broadcast %jit3A_240 : f32 to vector<16xf32>
        %select_n3A_243 = arith.select %ne3A_238, %broadcast_in_dim3A_241, %broadcast_in_dim3A_242 : vector<16xi1>, vector<16xf32>
        %add3A_244 = arith.constant 208 : i32
        %add3A_245 = vector.broadcast %add3A_244 : i32 to vector<16xi32>
        %add3A_246 = arith.addi %add3A_245, %iota3A : vector<16xi32>
        tpu.vector_store_idx %arg7[%add3A_246, %broadcast_in_dim3A_3], %select_n3A_243 : memref<256x128xf32, #tpu.memory_space<vmem>>[vector<16xi32>, vector<16xi32>], vector<16xf32>,
        %get3A_247 = arith.constant 224 : index
        %get3A_248 = tpu.vector_load %arg5[%get3A_247] {strides = array<i32>} : memref<256xi32, #tpu.memory_space<vmem>>, vector<16xi32>,
        %ne3A_249 = arith.constant 0 : i32
        %ne3A_250 = vector.broadcast %ne3A_249 : i32 to vector<16xi32>
        %ne3A_251 = arith.cmpi ne, %get3A_248, %ne3A_250 : vector<16xi32>
        %jit3A_252 = arith.constant 1.000000e+00 : f32
        %jit3A_253 = arith.constant 0.000000e+00 : f32
        %broadcast_in_dim3A_254 = vector.broadcast %jit3A_252 : f32 to vector<16xf32>
        %broadcast_in_dim3A_255 = vector.broadcast %jit3A_253 : f32 to vector<16xf32>
        %select_n3A_256 = arith.select %ne3A_251, %broadcast_in_dim3A_254, %broadcast_in_dim3A_255 : vector<16xi1>, vector<16xf32>
        %add3A_257 = arith.constant 224 : i32
        %add3A_258 = vector.broadcast %add3A_257 : i32 to vector<16xi32>
        %add3A_259 = arith.addi %add3A_258, %iota3A : vector<16xi32>
        tpu.vector_store_idx %arg7[%add3A_259, %broadcast_in_dim3A_3], %select_n3A_256 : memref<256x128xf32, #tpu.memory_space<vmem>>[vector<16xi32>, vector<16xi32>], vector<16xf32>,
        %get3A_260 = arith.constant 240 : index
        %get3A_261 = tpu.vector_load %arg5[%get3A_260] {strides = array<i32>} : memref<256xi32, #tpu.memory_space<vmem>>, vector<16xi32>,
        %ne3A_262 = arith.constant 0 : i32
        %ne3A_263 = vector.broadcast %ne3A_262 : i32 to vector<16xi32>
        %ne3A_264 = arith.cmpi ne, %get3A_261, %ne3A_263 : vector<16xi32>
        %jit3A_265 = arith.constant 1.000000e+00 : f32
        %jit3A_266 = arith.constant 0.000000e+00 : f32
        %broadcast_in_dim3A_267 = vector.broadcast %jit3A_265 : f32 to vector<16xf32>
        %broadcast_in_dim3A_268 = vector.broadcast %jit3A_266 : f32 to vector<16xf32>
        %select_n3A_269 = arith.select %ne3A_264, %broadcast_in_dim3A_267, %broadcast_in_dim3A_268 : vector<16xi1>, vector<16xf32>
        %add3A_270 = arith.constant 240 : i32
        %add3A_271 = vector.broadcast %add3A_270 : i32 to vector<16xi32>
        %add3A_272 = arith.addi %add3A_271, %iota3A : vector<16xi32>
        tpu.vector_store_idx %arg7[%add3A_272, %broadcast_in_dim3A_3], %select_n3A_269 : memref<256x128xf32, #tpu.memory_space<vmem>>[vector<16xi32>, vector<16xi32>], vector<16xf32>,
        %dma_start3A_273 = arith.constant 0 : i32
        %dma_start3A_274 = arith.constant 0 : i32
        %dma_start3A_275 = tpu.memref_slice %arg7[%dma_start3A_273, %dma_start3A_274] : memref<256x128xf32, #tpu.memory_space<vmem>> -> memref<256x80xf32, #tpu.memory_space<vmem>>
        %dma_start3A_276 = arith.constant 0 : i32
        %dma_start3A_277 = tpu.memref_slice %arg4[%add3A_43, %dma_start3A_276] : memref<819200x128xf32, #tpu.memory_space<hbm>> -> memref<256x80xf32, #tpu.memory_space<hbm>>
        %dma_start3A_278 = arith.constant 0 : i32
        %dma_start3A_279 = tpu.memref_slice %arg4[%add3A_43, %dma_start3A_278] : memref<819200x128xf32, #tpu.memory_space<hbm>> -> memref<256x80xf32, #tpu.memory_space<hbm>>
        %dma_start3A_280 = arith.constant 0 : i32
        %dma_start3A_281 = arith.constant 0 : i32
        %dma_start3A_282 = tpu.memref_slice %arg7[%dma_start3A_280, %dma_start3A_281] : memref<256x128xf32, #tpu.memory_space<vmem>> -> memref<256x80xf32, #tpu.memory_space<vmem>>
        tpu.enqueue_dma source(%dma_start3A_282 : memref<256x80xf32, #tpu.memory_space<vmem>>) target(%dma_start3A_279 : memref<256x80xf32, #tpu.memory_space<hbm>>) target_semaphore(%arg11 : memref<!tpu.dma_semaphore, #tpu.memory_space<semaphore_mem>>)
        %dma_wait3A_283 = arith.constant 0 : i32
        %dma_wait3A_284 = arith.constant 0 : i32
        %dma_wait3A_285 = tpu.memref_slice %arg7[%dma_wait3A_283, %dma_wait3A_284] : memref<256x128xf32, #tpu.memory_space<vmem>> -> memref<256x80xf32, #tpu.memory_space<vmem>>
        %dma_wait3A_286 = arith.constant 0 : i32
        %dma_wait3A_287 = tpu.memref_slice %arg4[%add3A_43, %dma_wait3A_286] : memref<819200x128xf32, #tpu.memory_space<hbm>> -> memref<256x80xf32, #tpu.memory_space<hbm>>
        %dma_wait3A_288 = arith.constant 0 : i32
        %dma_wait3A_289 = tpu.memref_slice %arg4[%add3A_43, %dma_wait3A_288] : memref<819200x128xf32, #tpu.memory_space<hbm>> -> memref<256x80xf32, #tpu.memory_space<hbm>>
        %dma_wait3A_290 = arith.constant 0 : i32
        %dma_wait3A_291 = arith.constant 0 : i32
        %dma_wait3A_292 = tpu.memref_slice %arg7[%dma_wait3A_290, %dma_wait3A_291] : memref<256x128xf32, #tpu.memory_space<vmem>> -> memref<256x80xf32, #tpu.memory_space<vmem>>
        tpu.wait_dma2 semaphore(%arg11 : memref<!tpu.dma_semaphore, #tpu.memory_space<semaphore_mem>>) src(%dma_wait3A_292 : memref<256x80xf32, #tpu.memory_space<vmem>>) dst(%dma_wait3A_289 : memref<256x80xf32, #tpu.memory_space<hbm>>)
      } else {
      }
      %eq3A_49 = arith.constant 1 : i32
      %eq3A_50 = arith.cmpi eq, %rem3A_25, %eq3A_49 : i32
      %convert_element_type3A_51 = arith.extui %eq3A_50 : i1 to i32
      %cond3A_52 = arith.constant 0 : i32
      %cond3A_53 = arith.cmpi ne, %convert_element_type3A_51, %cond3A_52 : i32
      scf.if %cond3A_53 {
        %dma_wait3A = arith.constant 0 : i32
        %dma_wait3A_54 = arith.constant 0 : i32
        %dma_wait3A_55 = tpu.memref_slice %arg8[%dma_wait3A, %dma_wait3A_54] : memref<256x128xf32, #tpu.memory_space<vmem>> -> memref<128x128xf32, #tpu.memory_space<vmem>>
        %dma_wait3A_56 = arith.constant 0 : i32
        %dma_wait3A_57 = tpu.memref_slice %arg6[%dma_wait3A_56] : memref<256xi32, #tpu.memory_space<vmem>> -> memref<128xi32, #tpu.memory_space<vmem>>
        %dma_wait3A_58 = arith.constant 0 : i32
        %dma_wait3A_59 = arith.constant 0 : i32
        %dma_wait3A_60 = tpu.memref_slice %arg3[%dma_wait3A_58, %dma_wait3A_59] : memref<100000x128xf32, #tpu.memory_space<hbm>> -> memref<100000x128xf32, #tpu.memory_space<hbm>>
        tpu.wait_indirect_dma semaphore(%arg10 : memref<!tpu.dma_semaphore, #tpu.memory_space<semaphore_mem>>) src(%dma_wait3A_60 : memref<100000x128xf32, #tpu.memory_space<hbm>>) dst(%dma_wait3A_55 : memref<128x128xf32, #tpu.memory_space<vmem>>)
        %dma_wait3A_61 = arith.constant 128 : i32
        %dma_wait3A_62 = arith.constant 0 : i32
        %dma_wait3A_63 = tpu.memref_slice %arg8[%dma_wait3A_61, %dma_wait3A_62] : memref<256x128xf32, #tpu.memory_space<vmem>> -> memref<128x128xf32, #tpu.memory_space<vmem>>
        %dma_wait3A_64 = arith.constant 128 : i32
        %dma_wait3A_65 = tpu.memref_slice %arg6[%dma_wait3A_64] : memref<256xi32, #tpu.memory_space<vmem>> -> memref<128xi32, #tpu.memory_space<vmem>>
        %dma_wait3A_66 = arith.constant 0 : i32
        %dma_wait3A_67 = arith.constant 0 : i32
        %dma_wait3A_68 = tpu.memref_slice %arg3[%dma_wait3A_66, %dma_wait3A_67] : memref<100000x128xf32, #tpu.memory_space<hbm>> -> memref<100000x128xf32, #tpu.memory_space<hbm>>
        tpu.wait_indirect_dma semaphore(%arg10 : memref<!tpu.dma_semaphore, #tpu.memory_space<semaphore_mem>>) src(%dma_wait3A_68 : memref<100000x128xf32, #tpu.memory_space<hbm>>) dst(%dma_wait3A_63 : memref<128x128xf32, #tpu.memory_space<vmem>>)
        %get3A = arith.constant 0 : index
        %get3A_69 = tpu.vector_load %arg6[%get3A] {strides = array<i32>} : memref<256xi32, #tpu.memory_space<vmem>>, vector<16xi32>,
        %ne3A = arith.constant 0 : i32
        %ne3A_70 = vector.broadcast %ne3A : i32 to vector<16xi32>
        %ne3A_71 = arith.cmpi ne, %get3A_69, %ne3A_70 : vector<16xi32>
        %jit3A = arith.constant 1.000000e+00 : f32
        %jit3A_72 = arith.constant 0.000000e+00 : f32
        %broadcast_in_dim3A_73 = vector.broadcast %jit3A : f32 to vector<16xf32>
        %broadcast_in_dim3A_74 = vector.broadcast %jit3A_72 : f32 to vector<16xf32>
        %select_n3A = arith.select %ne3A_71, %broadcast_in_dim3A_73, %broadcast_in_dim3A_74 : vector<16xi1>, vector<16xf32>
        %add3A_75 = arith.constant 0 : i32
        %add3A_76 = vector.broadcast %add3A_75 : i32 to vector<16xi32>
        %add3A_77 = arith.addi %add3A_76, %iota3A : vector<16xi32>
        tpu.vector_store_idx %arg8[%add3A_77, %broadcast_in_dim3A_3], %select_n3A : memref<256x128xf32, #tpu.memory_space<vmem>>[vector<16xi32>, vector<16xi32>], vector<16xf32>,
        %get3A_78 = arith.constant 16 : index
        %get3A_79 = tpu.vector_load %arg6[%get3A_78] {strides = array<i32>} : memref<256xi32, #tpu.memory_space<vmem>>, vector<16xi32>,
        %ne3A_80 = arith.constant 0 : i32
        %ne3A_81 = vector.broadcast %ne3A_80 : i32 to vector<16xi32>
        %ne3A_82 = arith.cmpi ne, %get3A_79, %ne3A_81 : vector<16xi32>
        %jit3A_83 = arith.constant 1.000000e+00 : f32
        %jit3A_84 = arith.constant 0.000000e+00 : f32
        %broadcast_in_dim3A_85 = vector.broadcast %jit3A_83 : f32 to vector<16xf32>
        %broadcast_in_dim3A_86 = vector.broadcast %jit3A_84 : f32 to vector<16xf32>
        %select_n3A_87 = arith.select %ne3A_82, %broadcast_in_dim3A_85, %broadcast_in_dim3A_86 : vector<16xi1>, vector<16xf32>
        %add3A_88 = arith.constant 16 : i32
        %add3A_89 = vector.broadcast %add3A_88 : i32 to vector<16xi32>
        %add3A_90 = arith.addi %add3A_89, %iota3A : vector<16xi32>
        tpu.vector_store_idx %arg8[%add3A_90, %broadcast_in_dim3A_3], %select_n3A_87 : memref<256x128xf32, #tpu.memory_space<vmem>>[vector<16xi32>, vector<16xi32>], vector<16xf32>,
        %get3A_91 = arith.constant 32 : index
        %get3A_92 = tpu.vector_load %arg6[%get3A_91] {strides = array<i32>} : memref<256xi32, #tpu.memory_space<vmem>>, vector<16xi32>,
        %ne3A_93 = arith.constant 0 : i32
        %ne3A_94 = vector.broadcast %ne3A_93 : i32 to vector<16xi32>
        %ne3A_95 = arith.cmpi ne, %get3A_92, %ne3A_94 : vector<16xi32>
        %jit3A_96 = arith.constant 1.000000e+00 : f32
        %jit3A_97 = arith.constant 0.000000e+00 : f32
        %broadcast_in_dim3A_98 = vector.broadcast %jit3A_96 : f32 to vector<16xf32>
        %broadcast_in_dim3A_99 = vector.broadcast %jit3A_97 : f32 to vector<16xf32>
        %select_n3A_100 = arith.select %ne3A_95, %broadcast_in_dim3A_98, %broadcast_in_dim3A_99 : vector<16xi1>, vector<16xf32>
        %add3A_101 = arith.constant 32 : i32
        %add3A_102 = vector.broadcast %add3A_101 : i32 to vector<16xi32>
        %add3A_103 = arith.addi %add3A_102, %iota3A : vector<16xi32>
        tpu.vector_store_idx %arg8[%add3A_103, %broadcast_in_dim3A_3], %select_n3A_100 : memref<256x128xf32, #tpu.memory_space<vmem>>[vector<16xi32>, vector<16xi32>], vector<16xf32>,
        %get3A_104 = arith.constant 48 : index
        %get3A_105 = tpu.vector_load %arg6[%get3A_104] {strides = array<i32>} : memref<256xi32, #tpu.memory_space<vmem>>, vector<16xi32>,
        %ne3A_106 = arith.constant 0 : i32
        %ne3A_107 = vector.broadcast %ne3A_106 : i32 to vector<16xi32>
        %ne3A_108 = arith.cmpi ne, %get3A_105, %ne3A_107 : vector<16xi32>
        %jit3A_109 = arith.constant 1.000000e+00 : f32
        %jit3A_110 = arith.constant 0.000000e+00 : f32
        %broadcast_in_dim3A_111 = vector.broadcast %jit3A_109 : f32 to vector<16xf32>
        %broadcast_in_dim3A_112 = vector.broadcast %jit3A_110 : f32 to vector<16xf32>
        %select_n3A_113 = arith.select %ne3A_108, %broadcast_in_dim3A_111, %broadcast_in_dim3A_112 : vector<16xi1>, vector<16xf32>
        %add3A_114 = arith.constant 48 : i32
        %add3A_115 = vector.broadcast %add3A_114 : i32 to vector<16xi32>
        %add3A_116 = arith.addi %add3A_115, %iota3A : vector<16xi32>
        tpu.vector_store_idx %arg8[%add3A_116, %broadcast_in_dim3A_3], %select_n3A_113 : memref<256x128xf32, #tpu.memory_space<vmem>>[vector<16xi32>, vector<16xi32>], vector<16xf32>,
        %get3A_117 = arith.constant 64 : index
        %get3A_118 = tpu.vector_load %arg6[%get3A_117] {strides = array<i32>} : memref<256xi32, #tpu.memory_space<vmem>>, vector<16xi32>,
        %ne3A_119 = arith.constant 0 : i32
        %ne3A_120 = vector.broadcast %ne3A_119 : i32 to vector<16xi32>
        %ne3A_121 = arith.cmpi ne, %get3A_118, %ne3A_120 : vector<16xi32>
        %jit3A_122 = arith.constant 1.000000e+00 : f32
        %jit3A_123 = arith.constant 0.000000e+00 : f32
        %broadcast_in_dim3A_124 = vector.broadcast %jit3A_122 : f32 to vector<16xf32>
        %broadcast_in_dim3A_125 = vector.broadcast %jit3A_123 : f32 to vector<16xf32>
        %select_n3A_126 = arith.select %ne3A_121, %broadcast_in_dim3A_124, %broadcast_in_dim3A_125 : vector<16xi1>, vector<16xf32>
        %add3A_127 = arith.constant 64 : i32
        %add3A_128 = vector.broadcast %add3A_127 : i32 to vector<16xi32>
        %add3A_129 = arith.addi %add3A_128, %iota3A : vector<16xi32>
        tpu.vector_store_idx %arg8[%add3A_129, %broadcast_in_dim3A_3], %select_n3A_126 : memref<256x128xf32, #tpu.memory_space<vmem>>[vector<16xi32>, vector<16xi32>], vector<16xf32>,
        %get3A_130 = arith.constant 80 : index
        %get3A_131 = tpu.vector_load %arg6[%get3A_130] {strides = array<i32>} : memref<256xi32, #tpu.memory_space<vmem>>, vector<16xi32>,
        %ne3A_132 = arith.constant 0 : i32
        %ne3A_133 = vector.broadcast %ne3A_132 : i32 to vector<16xi32>
        %ne3A_134 = arith.cmpi ne, %get3A_131, %ne3A_133 : vector<16xi32>
        %jit3A_135 = arith.constant 1.000000e+00 : f32
        %jit3A_136 = arith.constant 0.000000e+00 : f32
        %broadcast_in_dim3A_137 = vector.broadcast %jit3A_135 : f32 to vector<16xf32>
        %broadcast_in_dim3A_138 = vector.broadcast %jit3A_136 : f32 to vector<16xf32>
        %select_n3A_139 = arith.select %ne3A_134, %broadcast_in_dim3A_137, %broadcast_in_dim3A_138 : vector<16xi1>, vector<16xf32>
        %add3A_140 = arith.constant 80 : i32
        %add3A_141 = vector.broadcast %add3A_140 : i32 to vector<16xi32>
        %add3A_142 = arith.addi %add3A_141, %iota3A : vector<16xi32>
        tpu.vector_store_idx %arg8[%add3A_142, %broadcast_in_dim3A_3], %select_n3A_139 : memref<256x128xf32, #tpu.memory_space<vmem>>[vector<16xi32>, vector<16xi32>], vector<16xf32>,
        %get3A_143 = arith.constant 96 : index
        %get3A_144 = tpu.vector_load %arg6[%get3A_143] {strides = array<i32>} : memref<256xi32, #tpu.memory_space<vmem>>, vector<16xi32>,
        %ne3A_145 = arith.constant 0 : i32
        %ne3A_146 = vector.broadcast %ne3A_145 : i32 to vector<16xi32>
        %ne3A_147 = arith.cmpi ne, %get3A_144, %ne3A_146 : vector<16xi32>
        %jit3A_148 = arith.constant 1.000000e+00 : f32
        %jit3A_149 = arith.constant 0.000000e+00 : f32
        %broadcast_in_dim3A_150 = vector.broadcast %jit3A_148 : f32 to vector<16xf32>
        %broadcast_in_dim3A_151 = vector.broadcast %jit3A_149 : f32 to vector<16xf32>
        %select_n3A_152 = arith.select %ne3A_147, %broadcast_in_dim3A_150, %broadcast_in_dim3A_151 : vector<16xi1>, vector<16xf32>
        %add3A_153 = arith.constant 96 : i32
        %add3A_154 = vector.broadcast %add3A_153 : i32 to vector<16xi32>
        %add3A_155 = arith.addi %add3A_154, %iota3A : vector<16xi32>
        tpu.vector_store_idx %arg8[%add3A_155, %broadcast_in_dim3A_3], %select_n3A_152 : memref<256x128xf32, #tpu.memory_space<vmem>>[vector<16xi32>, vector<16xi32>], vector<16xf32>,
        %get3A_156 = arith.constant 112 : index
        %get3A_157 = tpu.vector_load %arg6[%get3A_156] {strides = array<i32>} : memref<256xi32, #tpu.memory_space<vmem>>, vector<16xi32>,
        %ne3A_158 = arith.constant 0 : i32
        %ne3A_159 = vector.broadcast %ne3A_158 : i32 to vector<16xi32>
        %ne3A_160 = arith.cmpi ne, %get3A_157, %ne3A_159 : vector<16xi32>
        %jit3A_161 = arith.constant 1.000000e+00 : f32
        %jit3A_162 = arith.constant 0.000000e+00 : f32
        %broadcast_in_dim3A_163 = vector.broadcast %jit3A_161 : f32 to vector<16xf32>
        %broadcast_in_dim3A_164 = vector.broadcast %jit3A_162 : f32 to vector<16xf32>
        %select_n3A_165 = arith.select %ne3A_160, %broadcast_in_dim3A_163, %broadcast_in_dim3A_164 : vector<16xi1>, vector<16xf32>
        %add3A_166 = arith.constant 112 : i32
        %add3A_167 = vector.broadcast %add3A_166 : i32 to vector<16xi32>
        %add3A_168 = arith.addi %add3A_167, %iota3A : vector<16xi32>
        tpu.vector_store_idx %arg8[%add3A_168, %broadcast_in_dim3A_3], %select_n3A_165 : memref<256x128xf32, #tpu.memory_space<vmem>>[vector<16xi32>, vector<16xi32>], vector<16xf32>,
        %get3A_169 = arith.constant 128 : index
        %get3A_170 = tpu.vector_load %arg6[%get3A_169] {strides = array<i32>} : memref<256xi32, #tpu.memory_space<vmem>>, vector<16xi32>,
        %ne3A_171 = arith.constant 0 : i32
        %ne3A_172 = vector.broadcast %ne3A_171 : i32 to vector<16xi32>
        %ne3A_173 = arith.cmpi ne, %get3A_170, %ne3A_172 : vector<16xi32>
        %jit3A_174 = arith.constant 1.000000e+00 : f32
        %jit3A_175 = arith.constant 0.000000e+00 : f32
        %broadcast_in_dim3A_176 = vector.broadcast %jit3A_174 : f32 to vector<16xf32>
        %broadcast_in_dim3A_177 = vector.broadcast %jit3A_175 : f32 to vector<16xf32>
        %select_n3A_178 = arith.select %ne3A_173, %broadcast_in_dim3A_176, %broadcast_in_dim3A_177 : vector<16xi1>, vector<16xf32>
        %add3A_179 = arith.constant 128 : i32
        %add3A_180 = vector.broadcast %add3A_179 : i32 to vector<16xi32>
        %add3A_181 = arith.addi %add3A_180, %iota3A : vector<16xi32>
        tpu.vector_store_idx %arg8[%add3A_181, %broadcast_in_dim3A_3], %select_n3A_178 : memref<256x128xf32, #tpu.memory_space<vmem>>[vector<16xi32>, vector<16xi32>], vector<16xf32>,
        %get3A_182 = arith.constant 144 : index
        %get3A_183 = tpu.vector_load %arg6[%get3A_182] {strides = array<i32>} : memref<256xi32, #tpu.memory_space<vmem>>, vector<16xi32>,
        %ne3A_184 = arith.constant 0 : i32
        %ne3A_185 = vector.broadcast %ne3A_184 : i32 to vector<16xi32>
        %ne3A_186 = arith.cmpi ne, %get3A_183, %ne3A_185 : vector<16xi32>
        %jit3A_187 = arith.constant 1.000000e+00 : f32
        %jit3A_188 = arith.constant 0.000000e+00 : f32
        %broadcast_in_dim3A_189 = vector.broadcast %jit3A_187 : f32 to vector<16xf32>
        %broadcast_in_dim3A_190 = vector.broadcast %jit3A_188 : f32 to vector<16xf32>
        %select_n3A_191 = arith.select %ne3A_186, %broadcast_in_dim3A_189, %broadcast_in_dim3A_190 : vector<16xi1>, vector<16xf32>
        %add3A_192 = arith.constant 144 : i32
        %add3A_193 = vector.broadcast %add3A_192 : i32 to vector<16xi32>
        %add3A_194 = arith.addi %add3A_193, %iota3A : vector<16xi32>
        tpu.vector_store_idx %arg8[%add3A_194, %broadcast_in_dim3A_3], %select_n3A_191 : memref<256x128xf32, #tpu.memory_space<vmem>>[vector<16xi32>, vector<16xi32>], vector<16xf32>,
        %get3A_195 = arith.constant 160 : index
        %get3A_196 = tpu.vector_load %arg6[%get3A_195] {strides = array<i32>} : memref<256xi32, #tpu.memory_space<vmem>>, vector<16xi32>,
        %ne3A_197 = arith.constant 0 : i32
        %ne3A_198 = vector.broadcast %ne3A_197 : i32 to vector<16xi32>
        %ne3A_199 = arith.cmpi ne, %get3A_196, %ne3A_198 : vector<16xi32>
        %jit3A_200 = arith.constant 1.000000e+00 : f32
        %jit3A_201 = arith.constant 0.000000e+00 : f32
        %broadcast_in_dim3A_202 = vector.broadcast %jit3A_200 : f32 to vector<16xf32>
        %broadcast_in_dim3A_203 = vector.broadcast %jit3A_201 : f32 to vector<16xf32>
        %select_n3A_204 = arith.select %ne3A_199, %broadcast_in_dim3A_202, %broadcast_in_dim3A_203 : vector<16xi1>, vector<16xf32>
        %add3A_205 = arith.constant 160 : i32
        %add3A_206 = vector.broadcast %add3A_205 : i32 to vector<16xi32>
        %add3A_207 = arith.addi %add3A_206, %iota3A : vector<16xi32>
        tpu.vector_store_idx %arg8[%add3A_207, %broadcast_in_dim3A_3], %select_n3A_204 : memref<256x128xf32, #tpu.memory_space<vmem>>[vector<16xi32>, vector<16xi32>], vector<16xf32>,
        %get3A_208 = arith.constant 176 : index
        %get3A_209 = tpu.vector_load %arg6[%get3A_208] {strides = array<i32>} : memref<256xi32, #tpu.memory_space<vmem>>, vector<16xi32>,
        %ne3A_210 = arith.constant 0 : i32
        %ne3A_211 = vector.broadcast %ne3A_210 : i32 to vector<16xi32>
        %ne3A_212 = arith.cmpi ne, %get3A_209, %ne3A_211 : vector<16xi32>
        %jit3A_213 = arith.constant 1.000000e+00 : f32
        %jit3A_214 = arith.constant 0.000000e+00 : f32
        %broadcast_in_dim3A_215 = vector.broadcast %jit3A_213 : f32 to vector<16xf32>
        %broadcast_in_dim3A_216 = vector.broadcast %jit3A_214 : f32 to vector<16xf32>
        %select_n3A_217 = arith.select %ne3A_212, %broadcast_in_dim3A_215, %broadcast_in_dim3A_216 : vector<16xi1>, vector<16xf32>
        %add3A_218 = arith.constant 176 : i32
        %add3A_219 = vector.broadcast %add3A_218 : i32 to vector<16xi32>
        %add3A_220 = arith.addi %add3A_219, %iota3A : vector<16xi32>
        tpu.vector_store_idx %arg8[%add3A_220, %broadcast_in_dim3A_3], %select_n3A_217 : memref<256x128xf32, #tpu.memory_space<vmem>>[vector<16xi32>, vector<16xi32>], vector<16xf32>,
        %get3A_221 = arith.constant 192 : index
        %get3A_222 = tpu.vector_load %arg6[%get3A_221] {strides = array<i32>} : memref<256xi32, #tpu.memory_space<vmem>>, vector<16xi32>,
        %ne3A_223 = arith.constant 0 : i32
        %ne3A_224 = vector.broadcast %ne3A_223 : i32 to vector<16xi32>
        %ne3A_225 = arith.cmpi ne, %get3A_222, %ne3A_224 : vector<16xi32>
        %jit3A_226 = arith.constant 1.000000e+00 : f32
        %jit3A_227 = arith.constant 0.000000e+00 : f32
        %broadcast_in_dim3A_228 = vector.broadcast %jit3A_226 : f32 to vector<16xf32>
        %broadcast_in_dim3A_229 = vector.broadcast %jit3A_227 : f32 to vector<16xf32>
        %select_n3A_230 = arith.select %ne3A_225, %broadcast_in_dim3A_228, %broadcast_in_dim3A_229 : vector<16xi1>, vector<16xf32>
        %add3A_231 = arith.constant 192 : i32
        %add3A_232 = vector.broadcast %add3A_231 : i32 to vector<16xi32>
        %add3A_233 = arith.addi %add3A_232, %iota3A : vector<16xi32>
        tpu.vector_store_idx %arg8[%add3A_233, %broadcast_in_dim3A_3], %select_n3A_230 : memref<256x128xf32, #tpu.memory_space<vmem>>[vector<16xi32>, vector<16xi32>], vector<16xf32>,
        %get3A_234 = arith.constant 208 : index
        %get3A_235 = tpu.vector_load %arg6[%get3A_234] {strides = array<i32>} : memref<256xi32, #tpu.memory_space<vmem>>, vector<16xi32>,
        %ne3A_236 = arith.constant 0 : i32
        %ne3A_237 = vector.broadcast %ne3A_236 : i32 to vector<16xi32>
        %ne3A_238 = arith.cmpi ne, %get3A_235, %ne3A_237 : vector<16xi32>
        %jit3A_239 = arith.constant 1.000000e+00 : f32
        %jit3A_240 = arith.constant 0.000000e+00 : f32
        %broadcast_in_dim3A_241 = vector.broadcast %jit3A_239 : f32 to vector<16xf32>
        %broadcast_in_dim3A_242 = vector.broadcast %jit3A_240 : f32 to vector<16xf32>
        %select_n3A_243 = arith.select %ne3A_238, %broadcast_in_dim3A_241, %broadcast_in_dim3A_242 : vector<16xi1>, vector<16xf32>
        %add3A_244 = arith.constant 208 : i32
        %add3A_245 = vector.broadcast %add3A_244 : i32 to vector<16xi32>
        %add3A_246 = arith.addi %add3A_245, %iota3A : vector<16xi32>
        tpu.vector_store_idx %arg8[%add3A_246, %broadcast_in_dim3A_3], %select_n3A_243 : memref<256x128xf32, #tpu.memory_space<vmem>>[vector<16xi32>, vector<16xi32>], vector<16xf32>,
        %get3A_247 = arith.constant 224 : index
        %get3A_248 = tpu.vector_load %arg6[%get3A_247] {strides = array<i32>} : memref<256xi32, #tpu.memory_space<vmem>>, vector<16xi32>,
        %ne3A_249 = arith.constant 0 : i32
        %ne3A_250 = vector.broadcast %ne3A_249 : i32 to vector<16xi32>
        %ne3A_251 = arith.cmpi ne, %get3A_248, %ne3A_250 : vector<16xi32>
        %jit3A_252 = arith.constant 1.000000e+00 : f32
        %jit3A_253 = arith.constant 0.000000e+00 : f32
        %broadcast_in_dim3A_254 = vector.broadcast %jit3A_252 : f32 to vector<16xf32>
        %broadcast_in_dim3A_255 = vector.broadcast %jit3A_253 : f32 to vector<16xf32>
        %select_n3A_256 = arith.select %ne3A_251, %broadcast_in_dim3A_254, %broadcast_in_dim3A_255 : vector<16xi1>, vector<16xf32>
        %add3A_257 = arith.constant 224 : i32
        %add3A_258 = vector.broadcast %add3A_257 : i32 to vector<16xi32>
        %add3A_259 = arith.addi %add3A_258, %iota3A : vector<16xi32>
        tpu.vector_store_idx %arg8[%add3A_259, %broadcast_in_dim3A_3], %select_n3A_256 : memref<256x128xf32, #tpu.memory_space<vmem>>[vector<16xi32>, vector<16xi32>], vector<16xf32>,
        %get3A_260 = arith.constant 240 : index
        %get3A_261 = tpu.vector_load %arg6[%get3A_260] {strides = array<i32>} : memref<256xi32, #tpu.memory_space<vmem>>, vector<16xi32>,
        %ne3A_262 = arith.constant 0 : i32
        %ne3A_263 = vector.broadcast %ne3A_262 : i32 to vector<16xi32>
        %ne3A_264 = arith.cmpi ne, %get3A_261, %ne3A_263 : vector<16xi32>
        %jit3A_265 = arith.constant 1.000000e+00 : f32
        %jit3A_266 = arith.constant 0.000000e+00 : f32
        %broadcast_in_dim3A_267 = vector.broadcast %jit3A_265 : f32 to vector<16xf32>
        %broadcast_in_dim3A_268 = vector.broadcast %jit3A_266 : f32 to vector<16xf32>
        %select_n3A_269 = arith.select %ne3A_264, %broadcast_in_dim3A_267, %broadcast_in_dim3A_268 : vector<16xi1>, vector<16xf32>
        %add3A_270 = arith.constant 240 : i32
        %add3A_271 = vector.broadcast %add3A_270 : i32 to vector<16xi32>
        %add3A_272 = arith.addi %add3A_271, %iota3A : vector<16xi32>
        tpu.vector_store_idx %arg8[%add3A_272, %broadcast_in_dim3A_3], %select_n3A_269 : memref<256x128xf32, #tpu.memory_space<vmem>>[vector<16xi32>, vector<16xi32>], vector<16xf32>,
        %dma_start3A_273 = arith.constant 0 : i32
        %dma_start3A_274 = arith.constant 0 : i32
        %dma_start3A_275 = tpu.memref_slice %arg8[%dma_start3A_273, %dma_start3A_274] : memref<256x128xf32, #tpu.memory_space<vmem>> -> memref<256x80xf32, #tpu.memory_space<vmem>>
        %dma_start3A_276 = arith.constant 0 : i32
        %dma_start3A_277 = tpu.memref_slice %arg4[%add3A_43, %dma_start3A_276] : memref<819200x128xf32, #tpu.memory_space<hbm>> -> memref<256x80xf32, #tpu.memory_space<hbm>>
        %dma_start3A_278 = arith.constant 0 : i32
        %dma_start3A_279 = tpu.memref_slice %arg4[%add3A_43, %dma_start3A_278] : memref<819200x128xf32, #tpu.memory_space<hbm>> -> memref<256x80xf32, #tpu.memory_space<hbm>>
        %dma_start3A_280 = arith.constant 0 : i32
        %dma_start3A_281 = arith.constant 0 : i32
        %dma_start3A_282 = tpu.memref_slice %arg8[%dma_start3A_280, %dma_start3A_281] : memref<256x128xf32, #tpu.memory_space<vmem>> -> memref<256x80xf32, #tpu.memory_space<vmem>>
        tpu.enqueue_dma source(%dma_start3A_282 : memref<256x80xf32, #tpu.memory_space<vmem>>) target(%dma_start3A_279 : memref<256x80xf32, #tpu.memory_space<hbm>>) target_semaphore(%arg11 : memref<!tpu.dma_semaphore, #tpu.memory_space<semaphore_mem>>)
        %dma_wait3A_283 = arith.constant 0 : i32
        %dma_wait3A_284 = arith.constant 0 : i32
        %dma_wait3A_285 = tpu.memref_slice %arg8[%dma_wait3A_283, %dma_wait3A_284] : memref<256x128xf32, #tpu.memory_space<vmem>> -> memref<256x80xf32, #tpu.memory_space<vmem>>
        %dma_wait3A_286 = arith.constant 0 : i32
        %dma_wait3A_287 = tpu.memref_slice %arg4[%add3A_43, %dma_wait3A_286] : memref<819200x128xf32, #tpu.memory_space<hbm>> -> memref<256x80xf32, #tpu.memory_space<hbm>>
        %dma_wait3A_288 = arith.constant 0 : i32
        %dma_wait3A_289 = tpu.memref_slice %arg4[%add3A_43, %dma_wait3A_288] : memref<819200x128xf32, #tpu.memory_space<hbm>> -> memref<256x80xf32, #tpu.memory_space<hbm>>
        %dma_wait3A_290 = arith.constant 0 : i32
        %dma_wait3A_291 = arith.constant 0 : i32
        %dma_wait3A_292 = tpu.memref_slice %arg8[%dma_wait3A_290, %dma_wait3A_291] : memref<256x128xf32, #tpu.memory_space<vmem>> -> memref<256x80xf32, #tpu.memory_space<vmem>>
        tpu.wait_dma2 semaphore(%arg11 : memref<!tpu.dma_semaphore, #tpu.memory_space<semaphore_mem>>) src(%dma_wait3A_292 : memref<256x80xf32, #tpu.memory_space<vmem>>) dst(%dma_wait3A_289 : memref<256x80xf32, #tpu.memory_space<hbm>>)
      } else {
      }
    }
    %scan3A_23 = arith.constant 100 : i32
    return
  }
}

module attributes {stable_mosaic.version = 14 : i64} {
  func.func @_ln_body(%arg0: i32, %arg1: memref<12800x128xf32, #tpu.memory_space<vmem>>, %arg2: memref<12800x64xf32, #tpu.memory_space<vmem>>, %arg3: memref<64xf32, #tpu.memory_space<vmem>>, %arg4: memref<64xf32, #tpu.memory_space<vmem>>, %arg5: memref<64x200x64xf32, #tpu.memory_space<vmem>>) attributes {dimension_semantics = [#tpu.dimension_semantics<arbitrary>], iteration_bounds = array<i64: 64>, scalar_prefetch = 0 : i64, scratch_operands = 0 : i64, tpu.core_type = #tpu.core_type<tc>, window_params = [{transform_indices = @transform_0, window_bounds = array<i64: 12800, 128>}, {pipeline_mode = #tpu.pipeline_mode<synchronous>, transform_indices = @transform_1, window_bounds = array<i64: 12800, 64>}, {pipeline_mode = #tpu.pipeline_mode<synchronous>, transform_indices = @transform_2, window_bounds = array<i64: 64>}, {pipeline_mode = #tpu.pipeline_mode<synchronous>, transform_indices = @transform_3, window_bounds = array<i64: 64>}, {transform_indices = @transform_4, window_bounds = array<i64: 64, 200, 64>}]} {
    %get3A = arith.constant 0 : index
    %get3A_0 = arith.constant 0 : index
    %get3A_1 = vector.load %arg1[%get3A, %get3A_0] : memref<12800x128xf32, #tpu.memory_space<vmem>>, vector<12800x128xf32>
    %slice3A = vector.extract_strided_slice %get3A_1 {offsets = [0, 0], sizes = [12800, 64], strides = [1, 1]} : vector<12800x128xf32> to vector<12800x64xf32>
    %get3A_2 = arith.constant 0 : index
    %get3A_3 = arith.constant 0 : index
    %get3A_4 = vector.load %arg2[%get3A_2, %get3A_3] : memref<12800x64xf32, #tpu.memory_space<vmem>>, vector<12800x64xf32>
    %add3A = arith.addf %slice3A, %get3A_4 : vector<12800x64xf32>
    %broadcast_in_dim3A = arith.constant 1.562500e-02 : f32
    %broadcast_in_dim3A_5 = vector.broadcast %broadcast_in_dim3A : f32 to vector<64x64xf32>
    %dot_general3A = arith.constant dense<0.000000e+00> : vector<12800x64xf32>
    %dot_general3A_6 = tpu.matmul %add3A, %broadcast_in_dim3A_5, %dot_general3A {dimension_numbers = #tpu.dot_dimension_numbers<[1], [0], [0], [1], [0, 0, 1, 1], [], []>, transpose_lhs_hint = false} : vector<12800x64xf32>, vector<64x64xf32>, vector<12800x64xf32> -> vector<12800x64xf32>
    %mul3A = arith.mulf %add3A, %add3A : vector<12800x64xf32>
    %dot_general3A_7 = arith.constant dense<0.000000e+00> : vector<12800x64xf32>
    %dot_general3A_8 = tpu.matmul %mul3A, %broadcast_in_dim3A_5, %dot_general3A_7 {dimension_numbers = #tpu.dot_dimension_numbers<[1], [0], [0], [1], [0, 0, 1, 1], [], []>, transpose_lhs_hint = false} : vector<12800x64xf32>, vector<64x64xf32>, vector<12800x64xf32> -> vector<12800x64xf32>
    %mul3A_9 = arith.mulf %dot_general3A_6, %dot_general3A_6 : vector<12800x64xf32>
    %sub3A = arith.subf %dot_general3A_8, %mul3A_9 : vector<12800x64xf32>
    %sub3A_10 = arith.subf %add3A, %dot_general3A_6 : vector<12800x64xf32>
    %add3A_11 = arith.constant 9.99999993E-9 : f32
    %add3A_12 = vector.broadcast %add3A_11 : f32 to vector<12800x64xf32>
    %add3A_13 = arith.addf %sub3A, %add3A_12 : vector<12800x64xf32>
    %rsqrt3A = math.rsqrt %add3A_13 : vector<12800x64xf32>
    %mul3A_14 = arith.mulf %sub3A_10, %rsqrt3A : vector<12800x64xf32>
    %get3A_15 = arith.constant 0 : index
    %get3A_16 = vector.load %arg3[%get3A_15] : memref<64xf32, #tpu.memory_space<vmem>>, vector<64xf32>
    %broadcast_in_dim3A_17 = vector.shape_cast %get3A_16 : vector<64xf32> to vector<1x64xf32>
    %mul3A_18 = vector.broadcast %broadcast_in_dim3A_17 : vector<1x64xf32> to vector<12800x64xf32>
    %mul3A_19 = arith.mulf %mul3A_14, %mul3A_18 : vector<12800x64xf32>
    %get3A_20 = arith.constant 0 : index
    %get3A_21 = vector.load %arg4[%get3A_20] : memref<64xf32, #tpu.memory_space<vmem>>, vector<64xf32>
    %broadcast_in_dim3A_22 = vector.shape_cast %get3A_21 : vector<64xf32> to vector<1x64xf32>
    %add3A_23 = vector.broadcast %broadcast_in_dim3A_22 : vector<1x64xf32> to vector<12800x64xf32>
    %add3A_24 = arith.addf %mul3A_19, %add3A_23 : vector<12800x64xf32>
    %slice3A_25 = vector.extract_strided_slice %get3A_1 {offsets = [0, 64], sizes = [12800, 1], strides = [1, 1]} : vector<12800x128xf32> to vector<12800x1xf32>
    %mul3A_26 = vector.broadcast %slice3A_25 : vector<12800x1xf32> to vector<12800x64xf32>
    %mul3A_27 = arith.mulf %add3A_24, %mul3A_26 : vector<12800x64xf32>
    %reshape3A = vector.shape_cast %mul3A_27 : vector<12800x64xf32> to vector<64x200x64xf32>
    %swap3A = arith.constant 0 : index
    %swap3A_28 = arith.constant 0 : index
    %swap3A_29 = arith.constant 0 : index
    %swap3A_30 = vector.load %arg5[%swap3A, %swap3A_28, %swap3A_29] : memref<64x200x64xf32, #tpu.memory_space<vmem>>, vector<64x200x64xf32>
    tpu.vector_store %arg5[%swap3A, %swap3A_28, %swap3A_29], %reshape3A {strides = array<i32>} : memref<64x200x64xf32, #tpu.memory_space<vmem>>, vector<64x200x64xf32>,
    return
  }
  func.func @transform_0(%arg0: i32) -> (i32, i32) {
    %c0_i32 = arith.constant 0 : i32
    %c0_i32_0 = arith.constant 0 : i32
    return %arg0, %c0_i32 : i32, i32
  }
  func.func @transform_1(%arg0: i32) -> (i32, i32) {
    %c0_i32 = arith.constant 0 : i32
    %c0_i32_0 = arith.constant 0 : i32
    %c0_i32_1 = arith.constant 0 : i32
    return %c0_i32, %c0_i32_0 : i32, i32
  }
  func.func @transform_2(%arg0: i32) -> i32 {
    %c0_i32 = arith.constant 0 : i32
    %c0_i32_0 = arith.constant 0 : i32
    return %c0_i32 : i32
  }
  func.func @transform_3(%arg0: i32) -> i32 {
    %c0_i32 = arith.constant 0 : i32
    %c0_i32_0 = arith.constant 0 : i32
    return %c0_i32 : i32
  }
  func.func @transform_4(%arg0: i32) -> (i32, i32, i32) {
    %c0_i32 = arith.constant 0 : i32
    %c0_i32_0 = arith.constant 0 : i32
    %c0_i32_1 = arith.constant 0 : i32
    return %arg0, %c0_i32, %c0_i32_0 : i32, i32, i32
  }
}

</mosaic_0001>

<sc_bundles>
// kernel: _run.4.cloned.1.call-start
scs
__scs_entry_jumppad:
0x0: {  	(pc) =	sbr.rel $0x88, $3  }
0x1: {  	(tag) =	ssettag $0x0;
	lr =	simm.s32 $0x1  }
0x2: {  	[smem:$0x3F9C] =	sst lr;
	_ =	strace $0xD0000000  }
0x3: {  	_ = 	snop  }
0x4: {  	_ = 	snop  }
0x5: {  	_ = 	snop  }
0x6: {  	_ = 	snop  }
0x7: {  	_ = 	snop  }
__scs_overlays_trampoline_lowered:
0x8: {  	[smem:$0x3FAB] =	sst s0  }
0x9: {  	[smem:$0x3FAC] =	sst s1  }
0xa: {  	[smem:$0x3FAD] =	sst s2  }
0xb: {  	[smem:$0x3FAE] =	sst s3  }
0xc: {  	[smem:$0x3FAF] =	sst s4  }
0xd: {  	[smem:$0x3FB0] =	sst s5  }
0xe: {  	[smem:$0x3FB1] =	sst s6  }
0xf: {  	[smem:$0x3FB2] =	sst s7  }
0x10: {  	[smem:$0x3FB3] =	sst s8  }
0x11: {  	[smem:$0x3FB4] =	sst s9;
	s0 =	simm.s32 @!p0 $0x0  }
0x12: {  	s1 =	sld [smem:$0x3F9A];
	s0 =	simm.s32 @p0 $0x1  }
0x13: {  	[smem:$0x3FB5] =	sst s0;
	s0 =	simm.s32 @!p1 $0x0  }
0x14: {  	s2 =	sld [smem:$0x3F99];
	s0 =	simm.s32 @p1 $0x1  }
0x15: {  	[smem:$0x3FB6] =	sst s0;
	s0 =	simm.s32 @!p2 $0x0  }
0x16: {  	s3 =	sld [smem:$0x3FDB];
	s0 =	simm.s32 @p2 $0x1  }
0x17: {  	s4 =	simm.s32 $0x1BF5;
	[smem:$0x3FB8] =	sst s0  }
0x18: {  	s0 =	sld [smem:$0x3F9B];
	_ =	swait.ge [sflag:s4], $0x0  }
0x19: {  	s7 =	sld [smem:$0x3F9C]  }
0x1a: {  	s8 =	sadd.s32 $0xFFFFE003, lr  }
0x1b: {  	s9 =	sadd.s32 $0xFFFFFEF7, lr;
	s5 =	simm.s32 $0xFFFFFFFF;
	p2 =	slt.u32 s8, $0xFFFFF086  }
0x1c: {  	p1 =	slt.u32 s9, $0xF7A;
	s5 =	simm.s32 @!p2 $0x0  }
0x1d: {  	s5 =	simm.s32 @p1 $0x1;
	p0 =	seq.s32 s7, s2  }
0x1e: {  	s7 =	smul.u32 @!p0 $0xF7A, s2;
	p2 =	seq.s32 @!p0 s5, $0x0  }
0x1f: {  	s9 =	smul.u32 $0xF7A, s1;
	s8 =	simm.s32 @!p0 $0x1BF5;
	p2 =	por !p2, p0  }
0x20: {  	[sflag:s8] =	ssyncset.s32 @!p0 $0xFFFFF086;
	s6 =	sadd.s32 @!p0 s3, s7;
	s7 =	simm.s32 @!p0 $0x108  }
0x21: {  	s3 =	sadd.s32 s3, s9;
	s6 =	sadd.s32 @!p0 $0x88, s6;
	s7 =	simm.s32 @p2 $0x1082  }
0x22: {  	[simem:s7], [sflag:s8] =	dma.local @!p0 [hbm:s6], $0xF7A  }
0x23: {  	s9 =	sor.u32 $0xD0000000, s2;
	s6 =	simm.s32 $0x108;
	_ =	swait.ge @!p0 [sflag:s8], $0x0  }
0x24: {  	s3 =	sadd.s32 $0x88, s3;
	s6 =	simm.s32 @!p1 $0x1082;
	[sflag:s4] =	ssyncset.s32 $0xFFFFF086  }
0x25: {  	[simem:s6], [sflag:s4] =	dma.local [hbm:s3], $0xF7A  }
0x26: {  	[smem:$0x3F9C] =	sst s1;
	(tag) =	ssettag s2;
	_ =	strace s9  }
0x27: {  	s1 =	sld [smem:$0x3FAC]  }
0x28: {  	s2 =	sld [smem:$0x3FAD]  }
0x29: {  	s4 =	sld [smem:$0x3FAF]  }
0x2a: {  	p0 =	seq.s32 s5, $0x0;
	s5 =	sld [smem:$0x3FB0]  }
0x2b: {  	s6 =	sld [smem:$0x3FB1]  }
0x2c: {  	s7 =	sld [smem:$0x3FB2]  }
0x2d: {  	s3 =	simm.s32 $0x108;
	s8 =	sld [smem:$0x3FB3]  }
0x2e: {  	s3 =	simm.s32 @!p0 $0x1082;
	s9 =	sld [smem:$0x3FB4]  }
0x2f: {  	lr =	sadd.s32 s0, s3;
	s0 =	sld [smem:$0x3FAB]  }
0x30: {  	s3 =	sld [smem:$0x3FAE]  }
0x31: {  	[smem:$0x3FB7] =	sst s10  }
0x32: {  	s10 =	sld [smem:$0x3FB5];
	_ =	sdelay $0x3  }
0x33: {  	p0 =	seq.s32 s10, $0x1;
	s10 =	sld [smem:$0x3FB7];
	_ =	sdelay $0x3  }
0x34: {  	[smem:$0x3FB7] =	sst s10  }
0x35: {  	s10 =	sld [smem:$0x3FB6];
	_ =	sdelay $0x3  }
0x36: {  	p1 =	seq.s32 s10, $0x1;
	s10 =	sld [smem:$0x3FB7];
	_ =	sdelay $0x3  }
0x37: {  	[smem:$0x3FB7] =	sst s10  }
0x38: {  	s10 =	sld [smem:$0x3FB8]  }
0x39: {  	_ = 	snop;
	(pc) =	sbr.ind lr, $3  }
0x3a: {  	_ = 	snop  }
0x3b: {  	_ = 	snop  }
0x3c: {  	p2 =	seq.s32 s10, $0x1;
	s10 =	sld [smem:$0x3FB7]  }
0x3d: {  	_ =	shalt  }
0x3e: {  	_ =	shalt  }
0x3f: {  	_ =	shalt  }
0x40: {  	_ =	shalt  }
0x41: {  	_ =	shalt  }
0x42: {  	_ =	shalt  }
0x43: {  	_ =	shalt  }
0x44: {  	_ =	shalt  }
0x45: {  	_ =	shalt  }
0x46: {  	_ =	shalt  }
0x47: {  	_ =	shalt  }
0x48: {  	_ =	shalt  }
0x49: {  	_ =	shalt  }
0x4a: {  	_ =	shalt  }
0x4b: {  	_ =	shalt  }
0x4c: {  	_ =	shalt  }
0x4d: {  	_ =	shalt  }
0x4e: {  	_ =	shalt  }
0x4f: {  	_ =	shalt  }
0x50: {  	_ =	shalt  }
0x51: {  	_ =	shalt  }
0x52: {  	_ =	shalt  }
0x53: {  	_ =	shalt  }
0x54: {  	_ =	shalt  }
0x55: {  	_ =	shalt  }
0x56: {  	_ =	shalt  }
0x57: {  	_ =	shalt  }
0x58: {  	_ =	shalt  }
0x59: {  	_ =	shalt  }
0x5a: {  	_ =	shalt  }
0x5b: {  	_ =	shalt  }
0x5c: {  	_ =	shalt  }
0x5d: {  	_ =	shalt  }
0x5e: {  	_ =	shalt  }
0x5f: {  	_ =	shalt  }
0x60: {  	_ =	shalt  }
0x61: {  	_ =	shalt  }
0x62: {  	_ =	shalt  }
0x63: {  	_ =	shalt  }
0x64: {  	_ =	shalt  }
0x65: {  	_ =	shalt  }
0x66: {  	_ =	shalt  }
0x67: {  	_ =	shalt  }
0x68: {  	_ =	shalt  }
0x69: {  	_ =	shalt  }
0x6a: {  	_ =	shalt  }
0x6b: {  	_ =	shalt  }
0x6c: {  	_ =	shalt  }
0x6d: {  	_ =	shalt  }
0x6e: {  	_ =	shalt  }
0x6f: {  	_ =	shalt  }
0x70: {  	_ =	shalt  }
0x71: {  	_ =	shalt  }
0x72: {  	_ =	shalt  }
0x73: {  	_ =	shalt  }
0x74: {  	_ =	shalt  }
0x75: {  	_ =	shalt  }
0x76: {  	_ =	shalt  }
0x77: {  	_ =	shalt  }
0x78: {  	_ =	shalt  }
0x79: {  	_ =	shalt  }
0x7a: {  	_ =	shalt  }
0x7b: {  	_ =	shalt  }
0x7c: {  	_ =	shalt  }
0x7d: {  	_ =	shalt  }
0x7e: {  	_ =	shalt  }
0x7f: {  	_ =	shalt  }
0x80: {  	_ =	shalt  }
0x81: {  	_ =	shalt  }
0x82: {  	_ =	shalt  }
0x83: {  	_ =	shalt  }
0x84: {  	_ =	shalt  }
0x85: {  	_ =	shalt  }
0x86: {  	_ =	shalt  }
0x87: {  	_ =	shalt  }
.Lfunc_end0:
.L_simem_size_0:
called_computation_lowered:
.L_overlay_start_0:
0x88: {  	s2 =	sld [smem:$0x3FD9]  }
0x89: {  	s3 =	sld [smem:$0x3FFE];
	_ =	sdelay $0x1  }
0x8a: {  	s1 =	srdreg.scid  }
0x8b: {  	s0 =	sand.u32 $0x1, s1  }
0x8c: {  	s17 =	sshll.u32 s0, $0xA;
	s2 =	sadd.s32 s3, s2  }
0x8d: {  	s2 =	sadd.s32 s2, s17  }
0x8e: {  	[smem:$0x3FC3] =	sst s2  }
0x8f: {  	_ = 	snop  }
0x90: {  	s2 =	sld [smem:$0x3FC9];
	(tm) =	ssettm $0x1  }
0x91: {  	s18 =	sld [smem:$0x3FFB];
	_ =	sdelay $0x3  }
0x92: {  	_ =	strace s18  }
0x93: {  	s3 =	sld [smem:$0x3FFC];
	_ =	sdelay $0x3  }
0x94: {  	_ =	strace s3  }
0x95: {  	s3 =	sld [smem:$0x3FFD];
	_ =	sdelay $0x3  }
0x96: {  	_ =	strace s3  }
0x97: {  	_ =	strace $0x8FFFFFFF  }
0x98: {  	s19 =	sld [smem:$0x3FDB];
	_ =	sdelay $0x1  }
0x99: {  	s4 =	simm.s32 $_scs_section_size  }
0x9a: {  	s5 =	simm.s32 $_size__tile_overlayer_lowered;
	s6 =	simm.s32 $_tile_overlayer_lowered  }
0x9b: {  	s22 =	simm.s32 $0x1BFF;
	s21 =	sshll.u32 s6, $0x1;
	s3 =	sadd.s32 s4, s19  }
0x9c: {  	s7 =	simm.s32 $0x0;
	s20 =	sshll.u32 s5, $0x1;
	s5 =	sadd.s32 s21, s3  }
0x9d: {  	[timem:s7], [sflag:s22] =	dma.local [hbm:s5], s20  }
0x9e: {  	_ =	swait.ge [sflag:s22], s20  }
0x9f: {  	s4 =	ssub.s32 $0x0, s20;
	[sflag:s22] =	ssyncset.done $0x0  }
0xa0: {  	[sflag:s22] =	ssyncadd.s32 s4;
	_ =	sdelay $0x1  }
0xa1: {  	s23 =	simm.s32 $0x1B8B  }
0xa2: {  	_ =	swait.ge [sflag:s23], $0x1  }
0xa3: {  	[sflag:s23] =	ssyncset.done $0x0  }
0xa4: {  	s25 =	simm.s32 $0x1B8E;
	s24 =	sld [smem:$0x3FFE];
	[sflag:s23] =	ssyncadd.s32 $0xFFFFFFFF  }
0xa5: {  	s26 =	simm.s32 $execute0_lowered;
	[smem:$0x3FD2] =	sst s25  }
0xa6: {  	s5 =	sshll.u32 s26, $0x1;
	_ =	strace $0x80000046;
	[dreg:$0x1] =	wrdreg $0xFFFFFFFF  }
0xa7: {  	s28 =	simm.s32 $_size_execute0_lowered;
	s3 =	sadd.s32 s3, s5;
	[dreg:$0x0] =	wrdreg $0x0  }
0xa8: {  	s5 =	sshll.u32 s28, $0x1;
	[dreg:$0x2] =	wrdreg s3  }
0xa9: {  	[dreg:$0x3] =	wrdreg s5  }
0xaa: {  	[dreg:$0x4] =	wrdreg $0xC0  }
0xab: {  	_ =	task [dreg:s7], $0x5FFFF  }
0xac: {  	[dreg:$0x1] =	wrdreg $0xFFFFFFFF  }
0xad: {  	[dreg:$0x0] =	wrdreg $0x60  }
0xae: {  	[dreg:$0x2] =	wrdreg s2  }
0xaf: {  	[dreg:$0x3] =	wrdreg s24  }
0xb0: {  	[dreg:$0x4] =	wrdreg $0x9  }
0xb1: {  	_ =	task.clear_ibuf [dreg:s7], $0x5FFFF;
	_ =	strace $0x90000046  }
0xb2: {  	s29 =	simm.s32 $0x9;
	_ =	strace $0x80000048  }
0xb3: {  	_ =	swait.ge [sflag:s29], $0x1  }
0xb4: {  	[sflag:s29] =	ssyncadd.s32 $0xFFFFFFFF  }
0xb5: {  	_ =	strace $0x90000048  }
0xb6: {  	_ =	sfence  }
0xb7: {  	s30 =	sld [smem:$0x0];
	_ =	sdelay $0x2  }
0xb8: {  	s31 =	sshll.u32 s1, $0xD;
	s1 =	sshrl.u32 s1, $0x2  }
0xb9: {  	s3 =	sand.u32 $0x4000, s31;
	s1 =	sadd.s32 s1, s30  }
0xba: {  	s0 =	sor.u32 s3, s0;
	s1 =	sshll.u32 s1, $0x11  }
0xbb: {  	s0 =	sor.u32 s1, s0  }
0xbc: {  	s0 =	sadd.s32 $0x8F2B, s0  }
0xbd: {  	[sflag:s0] =	ssyncadd.remote.s32 $0x1  }
0xbe: {  	_ =	sfence.sel $0xFFFF  }
0xbf: {  	[dreg:$0x0] =	wrdreg $0xFFFFFFFF;
	(pc) =	sbr.abs _section_cstart, $3  }
0xc0: {  	[dreg:$0x1] =	wrdreg $0xFFFFFFFF  }
0xc1: {  	_ =	task.clear_ibuf [dreg:s7], $0x2FFFF;
	_ =	strace $0x9FFFFFFF  }
0xc2: {  	(tm) =	ssettm $0x7FFFFFFF  }
0xc3: {  	_ =	shalt  }
tec
execute0_lowered:
.L_overlay_start_1:
0x0: {  	(tag) =	ssettag $0x1  }
0x1: {  	s1 =	rddreg [dreg:$0x0];
	s2 =	srdreg.scid  }
0x2: {  	s0 =	stileid.u32;
	s6 =	rddreg [dreg:$0x1];
	v0 =	vlaneseq.u32;
	s3 =	simm.s32 $0x0  }
0x3: {  	s10 =	simm.s32 $0x80;
	s11 =	simm.s32 $0x200;
	s12 =	simm.s32 $0x4200;
	v16 =	vmul.u32 $0x80, v0  }
0x4: {  	s13 =	simm.s32 $0x1;
	s14 =	simm.s32 $0x3;
	s15 =	simm.s32 $0x2  }
0x5: {  	s16 =	simm.s32 $0x0;
	s5 =	sand.u32 $0x1, s2;
	s4 =	sshll.u32 s0, $0x1;
	v0 =	vimm.f32 $1.000000000e+00;
	v1 =	vor.u32 $0x40, v16  }
.Ltmp0:
0x6: {  	s2 =	rddreg [dreg:$0x2];
	s4 =	sor.u32 s5, s4;
	v2 =	vor.u32 $0x840, v16;
	v3 =	vor.u32 $0x1040, v16;
	v4 =	vor.u32 $0x1840, v16;
	(pc) =	sbr.rel .LBB2_1-.Ltmp0, $4  }
0x7: {  	[smem:$0x7FF] =	sst s3;
	s7 =	ssub.s32 $0x2, s5;
	s4 =	smul.u32 $0x6400, s4;
	v5 =	vor.u32 $0x2040, v16;
	v6 =	vor.u32 $0x2840, v16;
	v7 =	vor.u32 $0x3040, v16  }
0x8: {  	_ =	strace $0x80000047;
	s5 =	sadd.s32 $0xA00, s6;
	s8 =	sshrl.u32 s7, $0x1;
	v8 =	vor.u32 $0x3840, v16;
	v9 =	vor.u32 $0x4040, v16;
	v10 =	vor.u32 $0x4840, v16  }
0x9: {  	s6 =	sadd.s32 $0x187400, s6;
	v11 =	vor.u32 $0x5040, v16;
	v12 =	vor.u32 $0x5840, v16;
	v13 =	vor.u32 $0x6040, v16;
	s8 =	ssub.s32 s7, s8;
	s9 =	sshrl.u32 s4, $0x3  }
0xa: {  	v14 =	vor.u32 $0x6840, v16;
	v15 =	vor.u32 $0x7040, v16;
	v16 =	vor.u32 $0x7840, v16;
	s8 =	smax.u32 s8, $0x1;
	s7 =	sadd.s32 s1, s9;
	s9 =	simm.s32 $0x4  }
.LBB2_11:
0xb: {  	s16 =	sadd.s32 $0x1, s16  }
0xc: {  	p0 =	sne.s32 s16, s8  }
.Ltmp1:
0xd: {  	_ = 	snop;
	(pc) =	sbr.rel @!p0 .LBB2_12-.Ltmp1, $1  }
0xe: {  	_ =	sdelay $0x3  }
.LBB2_1:
0xf: {  	[tilespmem:s3], [sflag:$0x4] =	stream.linear.gather [hbm4b:s7+s3], $0x100, $0x38;
	[tilespmem:$0x10200] =	vst v63  }
0x10: {  	_ =	swait.ge [sflag:s9], $0x100  }
.Ltmp2:
0x11: {  	[sflag:s9] =	ssyncset.done $0x0;
	(pc) =	sbr.rel .LBB2_2-.Ltmp2, $4  }
0x12: {  	[sflag:s9] =	ssyncadd.s32 $0xFFFFFF00  }
0x13: {  	[tilespmem:s11], [sflag:$0x1] =	stream.indirect.gather [hbm4b:s5+s10], $0x80, s3, s10, $0xb8;
	[tilespmem:$0x10200] =	vst v63  }
0x14: {  	s17 =	simm.s32 $0x0  }
0x15: {  	[tilespmem:s12], [sflag:$0x1] =	stream.indirect.gather [hbm4b:s5+s10], $0x80, s10, s10, $0xb8;
	[tilespmem:$0x10200] =	vst v63  }
.LBB2_10:
0x16: {  	p0 =	sne.s32 s17, $0x64  }
.Ltmp3:
0x17: {  	_ = 	snop;
	(pc) =	sbr.rel @!p0 .LBB2_11-.Ltmp3, $1  }
0x18: {  	_ =	sdelay $0x3  }
.LBB2_2:
0x19: {  	s19 =	sand.u32 $0x1, s17  }
0x1a: {  	s18 =	smov.u32 s17;
	s17 =	sadd.s32 $0x1, s17;
	p0 =	seq.s32 s19, $0x1  }
0x1b: {  	s20 =	sshll.u32 @!p0 s17, $0x8  }
0x1c: {  	s20 =	sadd.s32 @!p0 s4, s20  }
0x1d: {  	s20 =	sshrl.u32 @!p0 s20, $0x3  }
0x1e: {  	s21 =	simm.s32 @!p0 $0x0;
	s22 =	simm.s32 @!p0 $0x100;
	s20 =	sadd.s32 @!p0 s1, s20  }
0x1f: {  	[tilespmem:s22], [sflag:$0x4] =	stream.linear.gather @!p0 [hbm4b:s20+s21], $0x100, $0x38;
	[tilespmem:$0x10200] =	vst v63  }
0x20: {  	s20 =	simm.s32 @!p0 $0x4  }
0x21: {  	_ =	swait.ge @!p0 [sflag:s20], $0x100  }
0x22: {  	p1 =	seq.s32 s18, $0x63;
	[sflag:s20] =	ssyncset.done @!p0 $0x0  }
0x23: {  	s21 =	simm.s32 @!p0 $0x8200;
	[sflag:s20] =	ssyncadd.s32 @!p0 $0xFFFFFF00;
	s20 =	simm.s32 @!p0 $0x80  }
0x24: {  	[tilespmem:s21], [sflag:$0x2] =	stream.indirect.gather @!p0 [hbm4b:s5+s20], $0x80, s22, s20, $0xb8;
	[tilespmem:$0x10200] =	vst v63  }
0x25: {  	p1 =	por !p0, p1;
	s21 =	simm.s32 @!p0 $0x180;
	s22 =	simm.s32 @!p0 $0xC200  }
0x26: {  	[tilespmem:s22], [sflag:$0x2] =	stream.indirect.gather @!p0 [hbm4b:s5+s20], $0x80, s21, s20, $0xb8;
	[tilespmem:$0x10200] =	vst v63  }
0x27: {  	s20 =	sshll.u32 @!p1 s17, $0x8  }
0x28: {  	s20 =	sadd.s32 @!p1 s4, s20  }
0x29: {  	s20 =	sshrl.u32 @!p1 s20, $0x3  }
0x2a: {  	s21 =	simm.s32 @!p1 $0x0;
	s20 =	sadd.s32 @!p1 s1, s20  }
0x2b: {  	[tilespmem:s21], [sflag:$0x4] =	stream.linear.gather @!p1 [hbm4b:s20+s21], $0x100, $0x38;
	[tilespmem:$0x10200] =	vst v63  }
0x2c: {  	s20 =	simm.s32 @!p1 $0x4  }
0x2d: {  	_ =	swait.ge @!p1 [sflag:s20], $0x100  }
0x2e: {  	[sflag:s20] =	ssyncset.done @!p1 $0x0  }
0x2f: {  	s22 =	simm.s32 @!p1 $0x200;
	[sflag:s20] =	ssyncadd.s32 @!p1 $0xFFFFFF00;
	s20 =	simm.s32 @!p1 $0x80  }
0x30: {  	[tilespmem:s22], [sflag:$0x1] =	stream.indirect.gather @!p1 [hbm4b:s5+s20], $0x80, s21, s20, $0xb8;
	[tilespmem:$0x10200] =	vst v63  }
0x31: {  	s21 =	simm.s32 @!p1 $0x4200  }
0x32: {  	[tilespmem:s21], [sflag:$0x1] =	stream.indirect.gather @!p1 [hbm4b:s5+s20], $0x80, s20, s20, $0xb8;
	[tilespmem:$0x10200] =	vst v63  }
0x33: {  	p1 =	sne.s32 s19, $0x0  }
.Ltmp4:
0x34: {  	_ = 	snop;
	(pc) =	sbr.rel @p1 .LBB2_6-.Ltmp4, $3  }
0x35: {  	_ =	sdelay $0x1  }
0x36: {  	s18 =	sshll.u32 s18, $0x8  }
0x37: {  	s18 =	sadd.s32 s4, s18  }
0x38: {  	_ =	swait.ge [sflag:s13], $0x4000  }
0x39: {  	[sflag:s13] =	ssyncset.done $0x0  }
0x3a: {  	[sflag:s13] =	ssyncadd.s32 $0xFFFFC000  }
0x3b: {  	_ =	swait.ge [sflag:s13], $0x4000  }
0x3c: {  	[sflag:s13] =	ssyncset.done $0x0  }
0x3d: {  	[sflag:s13] =	ssyncadd.s32 $0xFFFFC000  }
0x3e: {  	v17 =	vld [tilespmem:$0x0];
	_ =	sdelay $0x4  }
0x3f: {  	vm0 =	veq.s32 v17, $0x0  }
0x40: {  	s19 =	simm.s32 $0x200;
	v17 =	vsel vm0, $0x0, v0  }
0x41: {  	[tilespmem:v1+s19+$0x0] =	vst.idx.msk $0xffff, v17  }
0x42: {  	v17 =	vld [tilespmem:$0x10];
	_ =	sdelay $0x4  }
0x43: {  	vm13 =	veq.s32 v17, $0x0  }
0x44: {  	v17 =	vsel vm13, $0x0, v0  }
0x45: {  	[tilespmem:v2+s19+$0x0] =	vst.idx.msk $0xffff, v17  }
0x46: {  	v17 =	vld [tilespmem:$0x20];
	_ =	sdelay $0x4  }
0x47: {  	vm14 =	veq.s32 v17, $0x0  }
0x48: {  	v17 =	vsel vm14, $0x0, v0  }
0x49: {  	[tilespmem:v3+s19+$0x0] =	vst.idx.msk $0xffff, v17  }
0x4a: {  	v17 =	vld [tilespmem:$0x30];
	_ =	sdelay $0x4  }
0x4b: {  	vm15 =	veq.s32 v17, $0x0  }
0x4c: {  	v17 =	vsel vm15, $0x0, v0  }
0x4d: {  	[tilespmem:v4+s19+$0x0] =	vst.idx.msk $0xffff, v17  }
0x4e: {  	v17 =	vld [tilespmem:$0x40];
	_ =	sdelay $0x4  }
0x4f: {  	vm4 =	veq.s32 v17, $0x0  }
0x50: {  	v17 =	vsel vm4, $0x0, v0  }
0x51: {  	[tilespmem:v5+s19+$0x0] =	vst.idx.msk $0xffff, v17  }
0x52: {  	v17 =	vld [tilespmem:$0x50];
	_ =	sdelay $0x4  }
0x53: {  	vm5 =	veq.s32 v17, $0x0  }
0x54: {  	v17 =	vsel vm5, $0x0, v0  }
0x55: {  	[tilespmem:v6+s19+$0x0] =	vst.idx.msk $0xffff, v17  }
0x56: {  	v17 =	vld [tilespmem:$0x60];
	_ =	sdelay $0x4  }
0x57: {  	vm6 =	veq.s32 v17, $0x0  }
0x58: {  	v17 =	vsel vm6, $0x0, v0  }
0x59: {  	[tilespmem:v7+s19+$0x0] =	vst.idx.msk $0xffff, v17  }
0x5a: {  	v17 =	vld [tilespmem:$0x70];
	_ =	sdelay $0x4  }
0x5b: {  	vm7 =	veq.s32 v17, $0x0  }
0x5c: {  	v17 =	vsel vm7, $0x0, v0  }
0x5d: {  	[tilespmem:v8+s19+$0x0] =	vst.idx.msk $0xffff, v17  }
0x5e: {  	v17 =	vld [tilespmem:$0x80];
	_ =	sdelay $0x4  }
0x5f: {  	vm8 =	veq.s32 v17, $0x0  }
0x60: {  	v17 =	vsel vm8, $0x0, v0  }
0x61: {  	[tilespmem:v9+s19+$0x0] =	vst.idx.msk $0xffff, v17  }
0x62: {  	v17 =	vld [tilespmem:$0x90];
	_ =	sdelay $0x4  }
0x63: {  	vm9 =	veq.s32 v17, $0x0  }
0x64: {  	v17 =	vsel vm9, $0x0, v0  }
0x65: {  	[tilespmem:v10+s19+$0x0] =	vst.idx.msk $0xffff, v17  }
0x66: {  	v17 =	vld [tilespmem:$0xA0];
	_ =	sdelay $0x4  }
0x67: {  	vm10 =	veq.s32 v17, $0x0  }
0x68: {  	v17 =	vsel vm10, $0x0, v0  }
0x69: {  	[tilespmem:v11+s19+$0x0] =	vst.idx.msk $0xffff, v17  }
0x6a: {  	v17 =	vld [tilespmem:$0xB0];
	_ =	sdelay $0x4  }
0x6b: {  	vm11 =	veq.s32 v17, $0x0  }
0x6c: {  	v17 =	vsel vm11, $0x0, v0  }
0x6d: {  	[tilespmem:v12+s19+$0x0] =	vst.idx.msk $0xffff, v17  }
0x6e: {  	v17 =	vld [tilespmem:$0xC0];
	_ =	sdelay $0x4  }
0x6f: {  	vm12 =	veq.s32 v17, $0x0  }
0x70: {  	v17 =	vsel vm12, $0x0, v0  }
0x71: {  	[tilespmem:v13+s19+$0x0] =	vst.idx.msk $0xffff, v17  }
0x72: {  	v17 =	vld [tilespmem:$0xD0];
	_ =	sdelay $0x4  }
0x73: {  	vm13 =	veq.s32 v17, $0x0  }
0x74: {  	v17 =	vsel vm13, $0x0, v0  }
0x75: {  	[tilespmem:v14+s19+$0x0] =	vst.idx.msk $0xffff, v17  }
0x76: {  	v17 =	vld [tilespmem:$0xE0];
	_ =	sdelay $0x4  }
0x77: {  	vm14 =	veq.s32 v17, $0x0  }
0x78: {  	v17 =	vsel vm14, $0x0, v0  }
0x79: {  	[tilespmem:v15+s19+$0x0] =	vst.idx.msk $0xffff, v17  }
0x7a: {  	v17 =	vld [tilespmem:$0xF0];
	_ =	sdelay $0x3  }
0x7b: {  	s20 =	sshll.u32 s18, $0x4  }
0x7c: {  	s20 =	sand.u32 $0x1FFFE000, s20;
	vm15 =	veq.s32 v17, $0x0  }
0x7d: {  	s20 =	sadd.s32 s6, s20;
	v17 =	vsel vm15, $0x0, v0  }
0x7e: {  	s21 =	simm.s32 $0x10;
	s22 =	simm.s32 $0x280;
	s23 =	sadd.s32 $0x0, s20;
	[tilespmem:v16+s19+$0x0] =	vst.idx.msk $0xffff, v17  }
.LBB2_4:
0x7f: {  	[hbm4b:s23+s3] =	stream.linear.scatter [tilespmem:s19], [sflag:$0x3], $0x50, $0x38;
	[tilespmem:$0x10200] =	vst v63  }
0x80: {  	s23 =	smov.u32 s21;
	s19 =	smov.u32 s22;
	p1 =	sne.s32 s21, $0xFF0  }
.Ltmp5:
0x81: {  	s21 =	sadd.s32 $0x10, s21;
	(pc) =	sbr.rel @p1 .LBB2_4-.Ltmp5, $2  }
0x82: {  	_ =	sdelay $0x2  }
0x83: {  	s22 =	sadd.s32 $0x80, s22;
	s23 =	sadd.s32 s23, s20  }
0x84: {  	[hbm4b:s23+s3] =	stream.linear.scatter [tilespmem:s19], [sflag:$0x3], $0x50, $0x38;
	[tilespmem:$0x10200] =	vst v63  }
0x85: {  	_ =	swait.ge [sflag:s14], $0x5000  }
0x86: {  	[sflag:s14] =	ssyncset.done $0x0  }
0x87: {  	[sflag:s14] =	ssyncadd.s32 $0xFFFFB000  }
.LBB2_6:
.Ltmp6:
0x88: {  	(pc) =	sbr.rel @!p0 .LBB2_10-.Ltmp6, $1  }
0x89: {  	_ =	sdelay $0x3  }
0x8a: {  	_ =	swait.ge [sflag:s15], $0x4000  }
0x8b: {  	[sflag:s15] =	ssyncset.done $0x0  }
0x8c: {  	[sflag:s15] =	ssyncadd.s32 $0xFFFFC000  }
0x8d: {  	_ =	swait.ge [sflag:s15], $0x4000  }
0x8e: {  	[sflag:s15] =	ssyncset.done $0x0  }
0x8f: {  	[sflag:s15] =	ssyncadd.s32 $0xFFFFC000  }
0x90: {  	v17 =	vld [tilespmem:$0x100];
	_ =	sdelay $0x4  }
0x91: {  	vm0 =	veq.s32 v17, $0x0  }
0x92: {  	s19 =	simm.s32 $0x8200;
	v17 =	vsel vm0, $0x0, v0  }
0x93: {  	[tilespmem:v1+s19+$0x0] =	vst.idx.msk $0xffff, v17  }
0x94: {  	v17 =	vld [tilespmem:$0x110];
	_ =	sdelay $0x4  }
0x95: {  	vm13 =	veq.s32 v17, $0x0  }
0x96: {  	v17 =	vsel vm13, $0x0, v0  }
0x97: {  	[tilespmem:v2+s19+$0x0] =	vst.idx.msk $0xffff, v17  }
0x98: {  	v17 =	vld [tilespmem:$0x120];
	_ =	sdelay $0x4  }
0x99: {  	vm14 =	veq.s32 v17, $0x0  }
0x9a: {  	v17 =	vsel vm14, $0x0, v0  }
0x9b: {  	[tilespmem:v3+s19+$0x0] =	vst.idx.msk $0xffff, v17  }
0x9c: {  	v17 =	vld [tilespmem:$0x130];
	_ =	sdelay $0x4  }
0x9d: {  	vm15 =	veq.s32 v17, $0x0  }
0x9e: {  	v17 =	vsel vm15, $0x0, v0  }
0x9f: {  	[tilespmem:v4+s19+$0x0] =	vst.idx.msk $0xffff, v17  }
0xa0: {  	v17 =	vld [tilespmem:$0x140];
	_ =	sdelay $0x4  }
0xa1: {  	vm4 =	veq.s32 v17, $0x0  }
0xa2: {  	v17 =	vsel vm4, $0x0, v0  }
0xa3: {  	[tilespmem:v5+s19+$0x0] =	vst.idx.msk $0xffff, v17  }
0xa4: {  	v17 =	vld [tilespmem:$0x150];
	_ =	sdelay $0x4  }
0xa5: {  	vm5 =	veq.s32 v17, $0x0  }
0xa6: {  	v17 =	vsel vm5, $0x0, v0  }
0xa7: {  	[tilespmem:v6+s19+$0x0] =	vst.idx.msk $0xffff, v17  }
0xa8: {  	v17 =	vld [tilespmem:$0x160];
	_ =	sdelay $0x4  }
0xa9: {  	vm6 =	veq.s32 v17, $0x0  }
0xaa: {  	v17 =	vsel vm6, $0x0, v0  }
0xab: {  	[tilespmem:v7+s19+$0x0] =	vst.idx.msk $0xffff, v17  }
0xac: {  	v17 =	vld [tilespmem:$0x170];
	_ =	sdelay $0x4  }
0xad: {  	vm7 =	veq.s32 v17, $0x0  }
0xae: {  	v17 =	vsel vm7, $0x0, v0  }
0xaf: {  	[tilespmem:v8+s19+$0x0] =	vst.idx.msk $0xffff, v17  }
0xb0: {  	v17 =	vld [tilespmem:$0x180];
	_ =	sdelay $0x4  }
0xb1: {  	vm8 =	veq.s32 v17, $0x0  }
0xb2: {  	v17 =	vsel vm8, $0x0, v0  }
0xb3: {  	[tilespmem:v9+s19+$0x0] =	vst.idx.msk $0xffff, v17  }
0xb4: {  	v17 =	vld [tilespmem:$0x190];
	_ =	sdelay $0x4  }
0xb5: {  	vm9 =	veq.s32 v17, $0x0  }
0xb6: {  	v17 =	vsel vm9, $0x0, v0  }
0xb7: {  	[tilespmem:v10+s19+$0x0] =	vst.idx.msk $0xffff, v17  }
0xb8: {  	v17 =	vld [tilespmem:$0x1A0];
	_ =	sdelay $0x4  }
0xb9: {  	vm10 =	veq.s32 v17, $0x0  }
0xba: {  	v17 =	vsel vm10, $0x0, v0  }
0xbb: {  	[tilespmem:v11+s19+$0x0] =	vst.idx.msk $0xffff, v17  }
0xbc: {  	v17 =	vld [tilespmem:$0x1B0];
	_ =	sdelay $0x4  }
0xbd: {  	vm11 =	veq.s32 v17, $0x0  }
0xbe: {  	v17 =	vsel vm11, $0x0, v0  }
0xbf: {  	[tilespmem:v12+s19+$0x0] =	vst.idx.msk $0xffff, v17  }
0xc0: {  	v17 =	vld [tilespmem:$0x1C0];
	_ =	sdelay $0x4  }
0xc1: {  	vm12 =	veq.s32 v17, $0x0  }
0xc2: {  	v17 =	vsel vm12, $0x0, v0  }
0xc3: {  	[tilespmem:v13+s19+$0x0] =	vst.idx.msk $0xffff, v17  }
0xc4: {  	v17 =	vld [tilespmem:$0x1D0];
	_ =	sdelay $0x4  }
0xc5: {  	vm13 =	veq.s32 v17, $0x0  }
0xc6: {  	v17 =	vsel vm13, $0x0, v0  }
0xc7: {  	[tilespmem:v14+s19+$0x0] =	vst.idx.msk $0xffff, v17  }
0xc8: {  	v17 =	vld [tilespmem:$0x1E0];
	_ =	sdelay $0x4  }
0xc9: {  	vm14 =	veq.s32 v17, $0x0  }
0xca: {  	v17 =	vsel vm14, $0x0, v0  }
0xcb: {  	[tilespmem:v15+s19+$0x0] =	vst.idx.msk $0xffff, v17  }
0xcc: {  	v17 =	vld [tilespmem:$0x1F0];
	_ =	sdelay $0x4  }
0xcd: {  	s18 =	sshll.u32 s18, $0x4;
	vm15 =	veq.s32 v17, $0x0  }
0xce: {  	s18 =	sadd.s32 s6, s18;
	v17 =	vsel vm15, $0x0, v0  }
0xcf: {  	s20 =	simm.s32 $0x10;
	s21 =	simm.s32 $0x8280;
	s22 =	sadd.s32 $0x0, s18;
	[tilespmem:v16+s19+$0x0] =	vst.idx.msk $0xffff, v17  }
.LBB2_8:
0xd0: {  	[hbm4b:s22+s3] =	stream.linear.scatter [tilespmem:s19], [sflag:$0x3], $0x50, $0x38;
	[tilespmem:$0x10200] =	vst v63  }
0xd1: {  	s22 =	smov.u32 s20;
	s19 =	smov.u32 s21;
	p0 =	sne.s32 s20, $0xFF0  }
.Ltmp7:
0xd2: {  	s20 =	sadd.s32 $0x10, s20;
	(pc) =	sbr.rel @p0 .LBB2_8-.Ltmp7, $2  }
0xd3: {  	_ =	sdelay $0x2  }
0xd4: {  	s21 =	sadd.s32 $0x80, s21;
	s22 =	sadd.s32 s22, s18  }
.Ltmp8:
0xd5: {  	(pc) =	sbr.rel .LBB2_10-.Ltmp8, $4  }
0xd6: {  	[hbm4b:s22+s3] =	stream.linear.scatter [tilespmem:s19], [sflag:$0x3], $0x50, $0x38;
	[tilespmem:$0x10200] =	vst v63  }
0xd7: {  	_ =	swait.ge [sflag:s14], $0x5000  }
0xd8: {  	[sflag:s14] =	ssyncset.done $0x0  }
0xd9: {  	[sflag:s14] =	ssyncadd.s32 $0xFFFFB000  }
.LBB2_12:
0xda: {  	_ =	sfence.sel $0x180000  }
0xdb: {  	[bflag:$0x0] =	sbarrier.arrive $0xFFFF  }
0xdc: {  	p0 =	sne.s32 s0, $0x0;
	_ =	strace $0x90000047  }
0xdd: {  	s0 =	sadd.s32 @!p0 $0x100000, s2;
	[bflag:$0x2] =	sbarrier.arrive $0xFFFF  }
0xde: {  	[sflag:s0] =	ssyncadd.tile.s32 @!p0 $0x1;
	_ =	shalt  }
.Lfunc_end2:
_tile_overlayer_lowered:
.L_overlay_start_2:
0xdf: {  	(tag) =	ssettag $0x2  }
0xe0: {  	s0 =	rddreg [dreg:$0x0];
	s2 =	stileid.u32  }
0xe1: {  	s1 =	rddreg [dreg:$0x1];
	p0 =	sne.s32 s2, $0x0  }
0xe2: {  	s3 =	rddreg [dreg:$0x2];
	[bflag:$0x3] =	sbarrier.arrive $0xFFFF;
	s2 =	simm.s32 @!p0 $0x1C04  }
0xe3: {  	[timem:s3], [sflag:s2] =	dma.local @!p0 [hbm:s0], s1  }
0xe4: {  	s0 =	simm.s32 @!p0 $0x4  }
0xe5: {  	_ =	swait.ge @!p0 [sflag:s0], s1  }
0xe6: {  	s1 =	ssub.s32 @!p0 $0x0, s1;
	[sflag:s0] =	ssyncset.done @!p0 $0x0  }
0xe7: {  	[sflag:s0] =	ssyncadd.s32 @!p0 s1  }
0xe8: {  	[bflag:$0x3] =	sbarrier.arrive $0xFFFF  }
0xe9: {  	_ =	shalt  }

</sc_bundles>
